<compile_context>
chip_gen: v7x
topology: tpu7x:2x2x1
jax: 0.10.2.dev20260603
libtpu: 0.0.44.dev20260713+nightly
codegen_flags: <defaults>
</compile_context>

<pallas_src>
import functools

import jax
import jax.numpy as jnp
from jax import lax
from jax.experimental import pallas as pl
from jax.experimental.pallas import tpu as pltpu
from jax.experimental.pallas import tpu_sc as plsc

_T = 2048
_D = 1024
_I = 1024
_E = 64
_SI = 1024
_BT = 64
_BS = 256
_NC, _NS = 2, 16
_NW = _NC * _NS
_RPW = _T // _NW


def _dt(a, b):
    return lax.dot_general(a, b, (((1,), (1,)), ((), ())),
                           preferred_element_type=jnp.float32)


def _cumsum0(a):
    n = a.shape[0]
    k = 1
    while k < n:
        a = a + jnp.concatenate(
            [jnp.zeros((k, a.shape[1]), a.dtype), a[:n - k, :]], axis=0)
        k *= 2
    return a


def _cumsum1(a):
    n = a.shape[1]
    k = 1
    while k < n:
        a = a + jnp.concatenate(
            [jnp.zeros((a.shape[0], k), a.dtype), a[:, :n - k]], axis=1)
        k *= 2
    return a


def _gate_body(x_ref, gw_ref, rank_ref, w_ref, off_ref):
    logits = _dt(x_ref[...], gw_ref[...])
    m = jnp.max(logits, axis=1, keepdims=True)
    denom = jnp.sum(jnp.exp(logits - m), axis=1, keepdims=True)
    w_ref[...] = 1.0 / denom
    ids = lax.broadcasted_iota(jnp.int32, (_T, _E), 1)
    idx = jnp.min(jnp.where(logits == m, ids, _E), axis=1,
                  keepdims=True)
    occ = (ids == idx).astype(jnp.int32)
    csum = _cumsum0(occ)
    counts = csum[_T - 1:_T, :]
    incl = _cumsum1(counts)
    excl = incl - counts
    rank_ref[...] = jnp.sum(occ * (excl + csum - 1), axis=1, keepdims=True)
    off_ref[...] = jnp.concatenate(
        [jnp.zeros((1, 1), jnp.int32), incl], axis=1)


def _gate(x, gate_w):
    return pl.pallas_call(
        _gate_body,
        out_shape=(jax.ShapeDtypeStruct((_T, 1), jnp.int32),
                   jax.ShapeDtypeStruct((_T, 1), jnp.float32),
                   jax.ShapeDtypeStruct((1, _E + 1), jnp.int32)),
    )(x, gate_w)


def _dispatch(x, rank, w):
    mesh = plsc.VectorSubcoreMesh(core_axis_name="c", subcore_axis_name="s")

    @functools.partial(
        pl.kernel,
        out_type=(jax.ShapeDtypeStruct((_T, _D), jnp.float32),
                  jax.ShapeDtypeStruct((_T, 128), jnp.float32)),
        mesh=mesh,
        scratch_types=[
            pltpu.VMEM((_RPW,), jnp.int32),
            pltpu.VMEM((_RPW, _D), jnp.float32),
            pltpu.VMEM((_RPW,), jnp.float32),
            pltpu.VMEM((_RPW, 128), jnp.float32),
            pltpu.SemaphoreType.DMA,
            pltpu.SemaphoreType.DMA,
        ],
        compiler_params=pltpu.CompilerParams(needs_layout_passes=False),
    )
    def k(x_hbm, rank_hbm, w_hbm, xs_hbm, ws_hbm,
          idx_v, rows_v, w_v, wrow_v, sem, sem2):
        wid = lax.axis_index("s") * _NC + lax.axis_index("c")
        base = wid * _RPW
        pltpu.sync_copy(rank_hbm.at[pl.ds(base, _RPW)], idx_v)
        pltpu.sync_copy(w_hbm.at[pl.ds(base, _RPW)], w_v)
        pltpu.sync_copy(x_hbm.at[pl.ds(base, _RPW)], rows_v)
        zeros16 = jnp.zeros((16,), jnp.int32)
        for j in range(_RPW // 16):
            w16 = w_v[pl.ds(j * 16, 16)]
            ridx = j * 16 + lax.iota(jnp.int32, 16)
            plsc.store_scatter(wrow_v, [ridx, zeros16], w16)
        cp1 = pltpu.async_copy(rows_v, xs_hbm.at[idx_v], sem)
        cp2 = pltpu.async_copy(wrow_v, ws_hbm.at[idx_v], sem2)
        cp1.wait()
        cp2.wait()

    return k(x, rank, w)


def _undispatch(ys, inv):
    mesh = plsc.VectorSubcoreMesh(core_axis_name="c", subcore_axis_name="s")

    @functools.partial(
        pl.kernel,
        out_type=jax.ShapeDtypeStruct((_T, _D), jnp.float32),
        mesh=mesh,
        scratch_types=[
            pltpu.VMEM((_RPW,), jnp.int32),
            pltpu.VMEM((_RPW, _D), jnp.float32),
            pltpu.SemaphoreType.DMA,
        ],
    )
    def k(ys_hbm, inv_hbm, y_hbm, idx_v, rows_v, sem):
        wid = lax.axis_index("s") * _NC + lax.axis_index("c")
        base = wid * _RPW
        pltpu.sync_copy(inv_hbm.at[pl.ds(base, _RPW)], idx_v)
        pltpu.async_copy(ys_hbm.at[idx_v], rows_v, sem).wait()
        pltpu.sync_copy(rows_v, y_hbm.at[pl.ds(base, _RPW)])

    return k(ys, inv)


def _moe_body(off_ref, xs_ref, ws_ref, w1_ref, w2_ref, w3_ref, ys_ref):
    e = pl.program_id(0)
    lo = off_ref[e]
    hi = off_ref[e + 1]

    @pl.when(hi > lo)
    def _expert():
        w1 = w1_ref[0].astype(jnp.bfloat16)
        w2 = w2_ref[0].astype(jnp.bfloat16)
        w3 = w3_ref[0].astype(jnp.bfloat16)
        start0 = jnp.minimum((lo // 8) * 8, _T - _BT)
        nb = (hi - start0 + _BT - 1) // _BT

        def visit(s):
            xb = xs_ref[pl.ds(s, _BT), :].astype(jnp.bfloat16)
            h = (jax.nn.silu(_dt(xb, w1)) * _dt(xb, w3)).astype(jnp.bfloat16)
            o = _dt(h, w2)
            pos = s + lax.broadcasted_iota(jnp.int32, (_BT, 1), 0)
            in_range = (pos >= lo) & (pos < hi)
            wv = ws_ref[pl.ds(s, _BT), 0:1]
            ys_ref[pl.ds(s, _BT), :] = jnp.where(
                in_range, o * wv, ys_ref[pl.ds(s, _BT), :])

        visit(start0)

        @pl.when(nb > 1)
        def _rest():
            def blk(i, carry):
                visit(jnp.minimum(start0 + i * _BT, _T - _BT))
                return carry

            lax.fori_loop(1, nb, blk, 0)


def _expert_ffn(offsets, xs, ws, W1, W2, W3):
    grid_spec = pltpu.PrefetchScalarGridSpec(
        num_scalar_prefetch=1,
        grid=(_E,),
        in_specs=[
            pl.BlockSpec((_T, _D), lambda e, off: (0, 0)),
            pl.BlockSpec((_T, 128), lambda e, off: (0, 0)),
            pl.BlockSpec((1, _I, _D), lambda e, off: (e, 0, 0)),
            pl.BlockSpec((1, _D, _I), lambda e, off: (e, 0, 0)),
            pl.BlockSpec((1, _I, _D), lambda e, off: (e, 0, 0)),
        ],
        out_specs=pl.BlockSpec((_T, _D), lambda e, off: (0, 0)),
    )
    return pl.pallas_call(
        _moe_body,
        grid_spec=grid_spec,
        out_shape=jax.ShapeDtypeStruct((_T, _D), jnp.float32),
        compiler_params=pltpu.CompilerParams(
            dimension_semantics=("arbitrary",)),
    )(offsets, xs, ws, W1, W2, W3)


def _shared_body(x_ref, yu_ref, s1_ref, s3_ref, s2_ref, out_ref):
    xb = x_ref[...]
    h = jax.nn.silu(_dt(xb, s1_ref[...])) * _dt(xb, s3_ref[...])
    out_ref[...] = yu_ref[...] + _dt(h, s2_ref[...])


def _shared_add(x, yu, Ws1, Ws3, Ws2):
    return pl.pallas_call(
        _shared_body,
        grid=(_T // _BS,),
        in_specs=[
            pl.BlockSpec((_BS, _D), lambda i: (i, 0)),
            pl.BlockSpec((_BS, _D), lambda i: (i, 0)),
            pl.BlockSpec((_SI, _D), lambda i: (0, 0)),
            pl.BlockSpec((_SI, _D), lambda i: (0, 0)),
            pl.BlockSpec((_D, _SI), lambda i: (0, 0)),
        ],
        out_specs=pl.BlockSpec((_BS, _D), lambda i: (i, 0)),
        out_shape=jax.ShapeDtypeStruct((_T, _D), jnp.float32),
    )(x, yu, Ws1, Ws3, Ws2)


def kernel(x, gate_w, W1, W2, W3, Ws1, Ws2, Ws3):
    rank_col, w_col, off_row = _gate(x, gate_w)
    rank = rank_col.reshape(_T)
    w = w_col.reshape(_T)
    offsets = off_row.reshape(_E + 1)
    xs, ws2 = _dispatch(x, rank, w)
    ys = _expert_ffn(offsets, xs, ws2, W1, W2, W3)
    yu = _undispatch(ys, rank)
    return _shared_add(x, yu, Ws1, Ws3, Ws2)

# --- scband reference (transcript-rebuilt; emitter-appended) ---
"""Pipeline reference for scband-mo-e-70394513981761 (READ-ONLY COPY).

The authoritative reference and input builder live on the scoring server;
editing this copy changes nothing except your own understanding.
"""

import jax, jax.numpy as jnp
import numpy as np

DIM = 1024
INTER = 1024
E = 64
TOPK = 1
N_SHARED = 1
SHARED_INTER = N_SHARED * INTER
ROUTE_SCALE = 1.0
T = 2048


def setup_inputs(seed: int = 0) -> dict:
    key = jax.random.key(seed)
    ks = jax.random.split(key, 8)
    s = 0.02
    x = jax.random.normal(ks[0], (T, DIM), dtype=jnp.float32)
    gate_w = jax.random.normal(ks[1], (E, DIM), dtype=jnp.float32) * s
    W1 = jax.random.normal(ks[2], (E, INTER, DIM), dtype=jnp.float32) * s
    W2 = jax.random.normal(ks[3], (E, DIM, INTER), dtype=jnp.float32) * s
    W3 = jax.random.normal(ks[4], (E, INTER, DIM), dtype=jnp.float32) * s
    Ws1 = jax.random.normal(ks[5], (SHARED_INTER, DIM), dtype=jnp.float32) * s
    Ws2 = jax.random.normal(ks[6], (DIM, SHARED_INTER), dtype=jnp.float32) * s
    Ws3 = jax.random.normal(ks[7], (SHARED_INTER, DIM), dtype=jnp.float32) * s
    return {"x": x, "gate_w": gate_w, "W1": W1, "W2": W2, "W3": W3,
            "Ws1": Ws1, "Ws2": Ws2, "Ws3": Ws3}


def reference(x, gate_w, W1, W2, W3, Ws1, Ws2, Ws3):
    # Gate: scores = softmax(x @ gate_w.T); top-k experts per token;
    # routing weights gathered from the original (pre-topk) softmax scores.
    logits = x @ gate_w.T                      # [T, E]
    scores = jax.nn.softmax(logits, axis=-1)
    top_vals, top_idx = jax.lax.top_k(scores, TOPK)   # [T, TOPK]
    weights = (top_vals * ROUTE_SCALE).astype(x.dtype)

    # Sparse dispatch expressed as fixed-shape masked dispatch: per expert,
    # a per-token routing weight is zero for unrouted tokens so accumulating
    # the densely-computed expert output matches the scatter-add exactly.
    y = jnp.zeros_like(x)
    for i in range(E):
        wi = jnp.sum(jnp.where(top_idx == i, weights,
                               jnp.zeros((), dtype=weights.dtype)), axis=1)
        h = jax.nn.silu(x @ W1[i].T) * (x @ W3[i].T)
        out = h @ W2[i].T
        y = y + out * wi[:, None]

    # Shared expert (dense MLP over all tokens)
    z = (jax.nn.silu(x @ Ws1.T) * (x @ Ws3.T)) @ Ws2.T
    return y + z

if __name__ == "__main__":
    import jax
    _d = setup_inputs()
    print(jax.jit(kernel)(*tuple(_d.values())))

</pallas_src>

<mosaic_0001>
#map = affine_map<(d0, d1) -> (0, 0)>
#map1 = affine_map<(d0, d1) -> (0)>
module attributes {stable_mosaic.version = 14 : i64} {
  func.func @k(%arg0: i32, %arg1: i32, %arg2: memref<2048x1024xf32, #tpu.memory_space<hbm>>, %arg3: memref<2048xi32, #tpu.memory_space<hbm>>, %arg4: memref<2048x1024xf32, #tpu.memory_space<hbm>>, %arg5: memref<64xi32, #tpu.memory_space<vmem>>, %arg6: memref<64x1024xf32, #tpu.memory_space<vmem>>, %arg7: memref<!tpu.dma_semaphore, #tpu.memory_space<semaphore_mem>>) attributes {dimension_semantics = [#tpu.dimension_semantics<core_parallel>, #tpu.dimension_semantics<subcore_parallel>], iteration_bounds = array<i64: 2, 16>, scalar_prefetch = 0 : i64, scratch_operands = 3 : i64, tpu.core_type = #tpu.core_type<sc_vector_subcore>, window_params = [{transform_indices = #map}, {transform_indices = #map1}, {transform_indices = #map}]} {
    %mul3A = arith.constant 2 : i32
    %mul3A_0 = arith.muli %arg1, %mul3A : i32
    %add3A = arith.addi %mul3A_0, %arg0 : i32
    %mul3A_1 = arith.constant 64 : i32
    %mul3A_2 = arith.muli %add3A, %mul3A_1 : i32
    "tpu.region"() ({
      %run_scoped3A = tpu.sem_alloc : memref<!tpu.dma_semaphore, #tpu.memory_space<semaphore_mem>>
      %dma_start3A_7 = tpu.memref_slice %arg3[%mul3A_2] : memref<2048xi32, #tpu.memory_space<hbm>> -> memref<64xi32, #tpu.memory_space<hbm>>
      %dma_start3A_8 = tpu.memref_slice %arg3[%mul3A_2] : memref<2048xi32, #tpu.memory_space<hbm>> -> memref<64xi32, #tpu.memory_space<hbm>>
      tpu.enqueue_dma source(%dma_start3A_8 : memref<64xi32, #tpu.memory_space<hbm>>) target(%arg5 : memref<64xi32, #tpu.memory_space<vmem>>) target_semaphore(%run_scoped3A : memref<!tpu.dma_semaphore, #tpu.memory_space<semaphore_mem>>)
      %dma_wait3A_9 = tpu.memref_slice %arg3[%mul3A_2] : memref<2048xi32, #tpu.memory_space<hbm>> -> memref<64xi32, #tpu.memory_space<hbm>>
      %dma_wait3A_10 = tpu.memref_slice %arg3[%mul3A_2] : memref<2048xi32, #tpu.memory_space<hbm>> -> memref<64xi32, #tpu.memory_space<hbm>>
      tpu.wait_dma2 semaphore(%run_scoped3A : memref<!tpu.dma_semaphore, #tpu.memory_space<semaphore_mem>>) src(%dma_wait3A_10 : memref<64xi32, #tpu.memory_space<hbm>>) dst(%arg5 : memref<64xi32, #tpu.memory_space<vmem>>)
      tpu.yield
    }) : () -> ()
    %dma_start3A = arith.constant 0 : i32
    %dma_start3A_3 = arith.constant 0 : i32
    %dma_start3A_4 = tpu.memref_slice %arg2[%dma_start3A, %dma_start3A_3] : memref<2048x1024xf32, #tpu.memory_space<hbm>> -> memref<2048x1024xf32, #tpu.memory_space<hbm>>
    tpu.enqueue_indirect_dma source(%dma_start3A_4 : memref<2048x1024xf32, #tpu.memory_space<hbm>>) target(%arg6 : memref<64x1024xf32, #tpu.memory_space<vmem>>) offsets(%arg5 : memref<64xi32, #tpu.memory_space<vmem>>) semaphore(%arg7 : memref<!tpu.dma_semaphore, #tpu.memory_space<semaphore_mem>>)
    %dma_wait3A = arith.constant 0 : i32
    %dma_wait3A_5 = arith.constant 0 : i32
    %dma_wait3A_6 = tpu.memref_slice %arg2[%dma_wait3A, %dma_wait3A_5] : memref<2048x1024xf32, #tpu.memory_space<hbm>> -> memref<2048x1024xf32, #tpu.memory_space<hbm>>
    tpu.wait_indirect_dma semaphore(%arg7 : memref<!tpu.dma_semaphore, #tpu.memory_space<semaphore_mem>>) src(%dma_wait3A_6 : memref<2048x1024xf32, #tpu.memory_space<hbm>>) dst(%arg6 : memref<64x1024xf32, #tpu.memory_space<vmem>>)
    "tpu.region"() ({
      %run_scoped3A = tpu.sem_alloc : memref<!tpu.dma_semaphore, #tpu.memory_space<semaphore_mem>>
      %dma_start3A_7 = arith.constant 0 : i32
      %dma_start3A_8 = tpu.memref_slice %arg4[%mul3A_2, %dma_start3A_7] : memref<2048x1024xf32, #tpu.memory_space<hbm>> -> memref<64x1024xf32, #tpu.memory_space<hbm>>
      %dma_start3A_9 = arith.constant 0 : i32
      %dma_start3A_10 = tpu.memref_slice %arg4[%mul3A_2, %dma_start3A_9] : memref<2048x1024xf32, #tpu.memory_space<hbm>> -> memref<64x1024xf32, #tpu.memory_space<hbm>>
      tpu.enqueue_dma source(%arg6 : memref<64x1024xf32, #tpu.memory_space<vmem>>) target(%dma_start3A_10 : memref<64x1024xf32, #tpu.memory_space<hbm>>) target_semaphore(%run_scoped3A : memref<!tpu.dma_semaphore, #tpu.memory_space<semaphore_mem>>)
      %dma_wait3A_11 = arith.constant 0 : i32
      %dma_wait3A_12 = tpu.memref_slice %arg4[%mul3A_2, %dma_wait3A_11] : memref<2048x1024xf32, #tpu.memory_space<hbm>> -> memref<64x1024xf32, #tpu.memory_space<hbm>>
      %dma_wait3A_13 = arith.constant 0 : i32
      %dma_wait3A_14 = tpu.memref_slice %arg4[%mul3A_2, %dma_wait3A_13] : memref<2048x1024xf32, #tpu.memory_space<hbm>> -> memref<64x1024xf32, #tpu.memory_space<hbm>>
      tpu.wait_dma2 semaphore(%run_scoped3A : memref<!tpu.dma_semaphore, #tpu.memory_space<semaphore_mem>>) src(%arg6 : memref<64x1024xf32, #tpu.memory_space<vmem>>) dst(%dma_wait3A_14 : memref<64x1024xf32, #tpu.memory_space<hbm>>)
      tpu.yield
    }) : () -> ()
    return
  }
}

#map = affine_map<(d0, d1) -> (0, 0)>
#map1 = affine_map<(d0, d1) -> (0)>
module attributes {stable_mosaic.version = 14 : i64} {
  func.func @k(%arg0: i32, %arg1: i32, %arg2: memref<2048x1024xf32, #tpu.memory_space<hbm>>, %arg3: memref<2048xi32, #tpu.memory_space<hbm>>, %arg4: memref<2048xf32, #tpu.memory_space<hbm>>, %arg5: memref<2048x1024xf32, #tpu.memory_space<hbm>>, %arg6: memref<2048x128xf32, #tpu.memory_space<hbm>>, %arg7: memref<64xi32, #tpu.memory_space<vmem>>, %arg8: memref<64x1024xf32, #tpu.memory_space<vmem>>, %arg9: memref<64xf32, #tpu.memory_space<vmem>>, %arg10: memref<64x128xf32, #tpu.memory_space<vmem>>, %arg11: memref<!tpu.dma_semaphore, #tpu.memory_space<semaphore_mem>>, %arg12: memref<!tpu.dma_semaphore, #tpu.memory_space<semaphore_mem>>) attributes {dimension_semantics = [#tpu.dimension_semantics<core_parallel>, #tpu.dimension_semantics<subcore_parallel>], iteration_bounds = array<i64: 2, 16>, scalar_prefetch = 0 : i64, scratch_operands = 6 : i64, tpu.core_type = #tpu.core_type<sc_vector_subcore>, window_params = [{transform_indices = #map}, {transform_indices = #map1}, {transform_indices = #map1}, {transform_indices = #map}, {transform_indices = #map}]} {
    %mul3A = arith.constant 2 : i32
    %mul3A_0 = arith.muli %arg1, %mul3A : i32
    %add3A = arith.addi %mul3A_0, %arg0 : i32
    %mul3A_1 = arith.constant 64 : i32
    %mul3A_2 = arith.muli %add3A, %mul3A_1 : i32
    "tpu.region"() ({
      %run_scoped3A = tpu.sem_alloc : memref<!tpu.dma_semaphore, #tpu.memory_space<semaphore_mem>>
      %dma_start3A_36 = tpu.memref_slice %arg3[%mul3A_2] : memref<2048xi32, #tpu.memory_space<hbm>> -> memref<64xi32, #tpu.memory_space<hbm>>
      %dma_start3A_37 = tpu.memref_slice %arg3[%mul3A_2] : memref<2048xi32, #tpu.memory_space<hbm>> -> memref<64xi32, #tpu.memory_space<hbm>>
      tpu.enqueue_dma source(%dma_start3A_37 : memref<64xi32, #tpu.memory_space<hbm>>) target(%arg7 : memref<64xi32, #tpu.memory_space<vmem>>) target_semaphore(%run_scoped3A : memref<!tpu.dma_semaphore, #tpu.memory_space<semaphore_mem>>)
      %dma_wait3A_38 = tpu.memref_slice %arg3[%mul3A_2] : memref<2048xi32, #tpu.memory_space<hbm>> -> memref<64xi32, #tpu.memory_space<hbm>>
      %dma_wait3A_39 = tpu.memref_slice %arg3[%mul3A_2] : memref<2048xi32, #tpu.memory_space<hbm>> -> memref<64xi32, #tpu.memory_space<hbm>>
      tpu.wait_dma2 semaphore(%run_scoped3A : memref<!tpu.dma_semaphore, #tpu.memory_space<semaphore_mem>>) src(%dma_wait3A_39 : memref<64xi32, #tpu.memory_space<hbm>>) dst(%arg7 : memref<64xi32, #tpu.memory_space<vmem>>)
      tpu.yield
    }) : () -> ()
    "tpu.region"() ({
      %run_scoped3A = tpu.sem_alloc : memref<!tpu.dma_semaphore, #tpu.memory_space<semaphore_mem>>
      %dma_start3A_36 = tpu.memref_slice %arg4[%mul3A_2] : memref<2048xf32, #tpu.memory_space<hbm>> -> memref<64xf32, #tpu.memory_space<hbm>>
      %dma_start3A_37 = tpu.memref_slice %arg4[%mul3A_2] : memref<2048xf32, #tpu.memory_space<hbm>> -> memref<64xf32, #tpu.memory_space<hbm>>
      tpu.enqueue_dma source(%dma_start3A_37 : memref<64xf32, #tpu.memory_space<hbm>>) target(%arg9 : memref<64xf32, #tpu.memory_space<vmem>>) target_semaphore(%run_scoped3A : memref<!tpu.dma_semaphore, #tpu.memory_space<semaphore_mem>>)
      %dma_wait3A_38 = tpu.memref_slice %arg4[%mul3A_2] : memref<2048xf32, #tpu.memory_space<hbm>> -> memref<64xf32, #tpu.memory_space<hbm>>
      %dma_wait3A_39 = tpu.memref_slice %arg4[%mul3A_2] : memref<2048xf32, #tpu.memory_space<hbm>> -> memref<64xf32, #tpu.memory_space<hbm>>
      tpu.wait_dma2 semaphore(%run_scoped3A : memref<!tpu.dma_semaphore, #tpu.memory_space<semaphore_mem>>) src(%dma_wait3A_39 : memref<64xf32, #tpu.memory_space<hbm>>) dst(%arg9 : memref<64xf32, #tpu.memory_space<vmem>>)
      tpu.yield
    }) : () -> ()
    "tpu.region"() ({
      %run_scoped3A = tpu.sem_alloc : memref<!tpu.dma_semaphore, #tpu.memory_space<semaphore_mem>>
      %dma_start3A_36 = arith.constant 0 : i32
      %dma_start3A_37 = tpu.memref_slice %arg2[%mul3A_2, %dma_start3A_36] : memref<2048x1024xf32, #tpu.memory_space<hbm>> -> memref<64x1024xf32, #tpu.memory_space<hbm>>
      %dma_start3A_38 = arith.constant 0 : i32
      %dma_start3A_39 = tpu.memref_slice %arg2[%mul3A_2, %dma_start3A_38] : memref<2048x1024xf32, #tpu.memory_space<hbm>> -> memref<64x1024xf32, #tpu.memory_space<hbm>>
      tpu.enqueue_dma source(%dma_start3A_39 : memref<64x1024xf32, #tpu.memory_space<hbm>>) target(%arg8 : memref<64x1024xf32, #tpu.memory_space<vmem>>) target_semaphore(%run_scoped3A : memref<!tpu.dma_semaphore, #tpu.memory_space<semaphore_mem>>)
      %dma_wait3A_40 = arith.constant 0 : i32
      %dma_wait3A_41 = tpu.memref_slice %arg2[%mul3A_2, %dma_wait3A_40] : memref<2048x1024xf32, #tpu.memory_space<hbm>> -> memref<64x1024xf32, #tpu.memory_space<hbm>>
      %dma_wait3A_42 = arith.constant 0 : i32
      %dma_wait3A_43 = tpu.memref_slice %arg2[%mul3A_2, %dma_wait3A_42] : memref<2048x1024xf32, #tpu.memory_space<hbm>> -> memref<64x1024xf32, #tpu.memory_space<hbm>>
      tpu.wait_dma2 semaphore(%run_scoped3A : memref<!tpu.dma_semaphore, #tpu.memory_space<semaphore_mem>>) src(%dma_wait3A_43 : memref<64x1024xf32, #tpu.memory_space<hbm>>) dst(%arg8 : memref<64x1024xf32, #tpu.memory_space<vmem>>)
      tpu.yield
    }) : () -> ()
    %broadcast_in_dim3A = arith.constant 0 : i32
    %broadcast_in_dim3A_3 = vector.broadcast %broadcast_in_dim3A : i32 to vector<16xi32>
    %get3A = arith.constant 0 : index
    %get3A_4 = tpu.vector_load %arg9[%get3A] {strides = array<i32>} : memref<64xf32, #tpu.memory_space<vmem>>, vector<16xf32>,
    %iota3A = tpu.iota {dimensions = array<i32: 0>} : vector<16xi32>
    %add3A_5 = arith.constant 0 : i32
    %add3A_6 = vector.broadcast %add3A_5 : i32 to vector<16xi32>
    %add3A_7 = arith.addi %add3A_6, %iota3A : vector<16xi32>
    tpu.vector_store_idx %arg10[%add3A_7, %broadcast_in_dim3A_3], %get3A_4 : memref<64x128xf32, #tpu.memory_space<vmem>>[vector<16xi32>, vector<16xi32>], vector<16xf32>,
    %get3A_8 = arith.constant 16 : index
    %get3A_9 = tpu.vector_load %arg9[%get3A_8] {strides = array<i32>} : memref<64xf32, #tpu.memory_space<vmem>>, vector<16xf32>,
    %iota3A_10 = tpu.iota {dimensions = array<i32: 0>} : vector<16xi32>
    %add3A_11 = arith.constant 16 : i32
    %add3A_12 = vector.broadcast %add3A_11 : i32 to vector<16xi32>
    %add3A_13 = arith.addi %add3A_12, %iota3A_10 : vector<16xi32>
    tpu.vector_store_idx %arg10[%add3A_13, %broadcast_in_dim3A_3], %get3A_9 : memref<64x128xf32, #tpu.memory_space<vmem>>[vector<16xi32>, vector<16xi32>], vector<16xf32>,
    %get3A_14 = arith.constant 32 : index
    %get3A_15 = tpu.vector_load %arg9[%get3A_14] {strides = array<i32>} : memref<64xf32, #tpu.memory_space<vmem>>, vector<16xf32>,
    %iota3A_16 = tpu.iota {dimensions = array<i32: 0>} : vector<16xi32>
    %add3A_17 = arith.constant 32 : i32
    %add3A_18 = vector.broadcast %add3A_17 : i32 to vector<16xi32>
    %add3A_19 = arith.addi %add3A_18, %iota3A_16 : vector<16xi32>
    tpu.vector_store_idx %arg10[%add3A_19, %broadcast_in_dim3A_3], %get3A_15 : memref<64x128xf32, #tpu.memory_space<vmem>>[vector<16xi32>, vector<16xi32>], vector<16xf32>,
    %get3A_20 = arith.constant 48 : index
    %get3A_21 = tpu.vector_load %arg9[%get3A_20] {strides = array<i32>} : memref<64xf32, #tpu.memory_space<vmem>>, vector<16xf32>,
    %iota3A_22 = tpu.iota {dimensions = array<i32: 0>} : vector<16xi32>
    %add3A_23 = arith.constant 48 : i32
    %add3A_24 = vector.broadcast %add3A_23 : i32 to vector<16xi32>
    %add3A_25 = arith.addi %add3A_24, %iota3A_22 : vector<16xi32>
    tpu.vector_store_idx %arg10[%add3A_25, %broadcast_in_dim3A_3], %get3A_21 : memref<64x128xf32, #tpu.memory_space<vmem>>[vector<16xi32>, vector<16xi32>], vector<16xf32>,
    %dma_start3A = arith.constant 0 : i32
    %dma_start3A_26 = arith.constant 0 : i32
    %dma_start3A_27 = tpu.memref_slice %arg5[%dma_start3A, %dma_start3A_26] : memref<2048x1024xf32, #tpu.memory_space<hbm>> -> memref<2048x1024xf32, #tpu.memory_space<hbm>>
    tpu.enqueue_indirect_dma source(%arg8 : memref<64x1024xf32, #tpu.memory_space<vmem>>) target(%dma_start3A_27 : memref<2048x1024xf32, #tpu.memory_space<hbm>>) offsets(%arg7 : memref<64xi32, #tpu.memory_space<vmem>>) semaphore(%arg11 : memref<!tpu.dma_semaphore, #tpu.memory_space<semaphore_mem>>)
    %dma_start3A_28 = arith.constant 0 : i32
    %dma_start3A_29 = arith.constant 0 : i32
    %dma_start3A_30 = tpu.memref_slice %arg6[%dma_start3A_28, %dma_start3A_29] : memref<2048x128xf32, #tpu.memory_space<hbm>> -> memref<2048x128xf32, #tpu.memory_space<hbm>>
    tpu.enqueue_indirect_dma source(%arg10 : memref<64x128xf32, #tpu.memory_space<vmem>>) target(%dma_start3A_30 : memref<2048x128xf32, #tpu.memory_space<hbm>>) offsets(%arg7 : memref<64xi32, #tpu.memory_space<vmem>>) semaphore(%arg12 : memref<!tpu.dma_semaphore, #tpu.memory_space<semaphore_mem>>)
    %dma_wait3A = arith.constant 0 : i32
    %dma_wait3A_31 = arith.constant 0 : i32
    %dma_wait3A_32 = tpu.memref_slice %arg5[%dma_wait3A, %dma_wait3A_31] : memref<2048x1024xf32, #tpu.memory_space<hbm>> -> memref<2048x1024xf32, #tpu.memory_space<hbm>>
    tpu.wait_indirect_dma semaphore(%arg11 : memref<!tpu.dma_semaphore, #tpu.memory_space<semaphore_mem>>) src(%arg8 : memref<64x1024xf32, #tpu.memory_space<vmem>>) dst(%dma_wait3A_32 : memref<2048x1024xf32, #tpu.memory_space<hbm>>)
    %dma_wait3A_33 = arith.constant 0 : i32
    %dma_wait3A_34 = arith.constant 0 : i32
    %dma_wait3A_35 = tpu.memref_slice %arg6[%dma_wait3A_33, %dma_wait3A_34] : memref<2048x128xf32, #tpu.memory_space<hbm>> -> memref<2048x128xf32, #tpu.memory_space<hbm>>
    tpu.wait_indirect_dma semaphore(%arg12 : memref<!tpu.dma_semaphore, #tpu.memory_space<semaphore_mem>>) src(%arg10 : memref<64x128xf32, #tpu.memory_space<vmem>>) dst(%dma_wait3A_35 : memref<2048x128xf32, #tpu.memory_space<hbm>>)
    return
  }
}

module attributes {stable_mosaic.version = 14 : i64} {
  func.func @_gate_body(%arg0: memref<2048x1024xf32, #tpu.memory_space<vmem>>, %arg1: memref<64x1024xf32, #tpu.memory_space<vmem>>, %arg2: memref<2048x1xi32, #tpu.memory_space<vmem>>, %arg3: memref<2048x1xf32, #tpu.memory_space<vmem>>, %arg4: memref<1x65xi32, #tpu.memory_space<vmem>>) attributes {dimension_semantics = [], scalar_prefetch = 0 : i64, scratch_operands = 0 : i64, tpu.core_type = #tpu.core_type<tc>} {
    %get3A = arith.constant 0 : index
    %get3A_0 = arith.constant 0 : index
    %get3A_1 = vector.load %arg0[%get3A, %get3A_0] : memref<2048x1024xf32, #tpu.memory_space<vmem>>, vector<2048x1024xf32>
    %get3A_2 = arith.constant 0 : index
    %get3A_3 = arith.constant 0 : index
    %get3A_4 = vector.load %arg1[%get3A_2, %get3A_3] : memref<64x1024xf32, #tpu.memory_space<vmem>>, vector<64x1024xf32>
    %dot_general3A = arith.constant dense<0.000000e+00> : vector<2048x64xf32>
    %dot_general3A_5 = tpu.matmul %get3A_1, %get3A_4, %dot_general3A {dimension_numbers = #tpu.dot_dimension_numbers<[1], [1], [0], [0], [0, 0, 1, 0], [], []>, transpose_lhs_hint = false} : vector<2048x1024xf32>, vector<64x1024xf32>, vector<2048x64xf32> -> vector<2048x64xf32>
    %reduce_max3A = arith.constant dense<0xFF800000> : vector<2048xf32>
    %reduce_max3A_6 = vector.multi_reduction <maximumf>, %dot_general3A_5, %reduce_max3A [1] : vector<2048x64xf32> to vector<2048xf32>
    %broadcast_in_dim3A = vector.shape_cast %reduce_max3A_6 : vector<2048xf32> to vector<2048x1xf32>
    %sub3A = vector.broadcast %broadcast_in_dim3A : vector<2048x1xf32> to vector<2048x64xf32>
    %sub3A_7 = arith.subf %dot_general3A_5, %sub3A : vector<2048x64xf32>
    %exp3A = math.exp %sub3A_7 : vector<2048x64xf32>
    %reduce_sum3A = arith.constant dense<0.000000e+00> : vector<2048xf32>
    %reduce_sum3A_8 = vector.multi_reduction <add>, %exp3A, %reduce_sum3A [1] : vector<2048x64xf32> to vector<2048xf32>
    %broadcast_in_dim3A_9 = vector.shape_cast %reduce_sum3A_8 : vector<2048xf32> to vector<2048x1xf32>
    %div3A = arith.constant 1.000000e+00 : f32
    %div3A_10 = vector.broadcast %div3A : f32 to vector<2048x1xf32>
    %div3A_11 = arith.divf %div3A_10, %broadcast_in_dim3A_9 : vector<2048x1xf32>
    %swap3A = arith.constant 0 : index
    %swap3A_12 = arith.constant 0 : index
    %swap3A_13 = vector.load %arg3[%swap3A, %swap3A_12] : memref<2048x1xf32, #tpu.memory_space<vmem>>, vector<2048x1xf32>
    tpu.vector_store %arg3[%swap3A, %swap3A_12], %div3A_11 {strides = array<i32>} : memref<2048x1xf32, #tpu.memory_space<vmem>>, vector<2048x1xf32>,
    %iota3A = tpu.iota {dimensions = array<i32: 1>} : vector<2048x64xi32>
    %eq3A = vector.broadcast %broadcast_in_dim3A : vector<2048x1xf32> to vector<2048x64xf32>
    %eq3A_14 = arith.cmpf oeq, %dot_general3A_5, %eq3A : vector<2048x64xf32>
    %jit3A = arith.constant 64 : i32
    %broadcast_in_dim3A_15 = vector.broadcast %jit3A : i32 to vector<2048x64xi32>
    %select_n3A = arith.select %eq3A_14, %iota3A, %broadcast_in_dim3A_15 : vector<2048x64xi1>, vector<2048x64xi32>
    %reduce_min3A = arith.constant dense<2147483647> : vector<2048xi32>
    %reduce_min3A_16 = vector.multi_reduction <minsi>, %select_n3A, %reduce_min3A [1] : vector<2048x64xi32> to vector<2048xi32>
    %broadcast_in_dim3A_17 = vector.shape_cast %reduce_min3A_16 : vector<2048xi32> to vector<2048x1xi32>
    %eq3A_18 = vector.broadcast %broadcast_in_dim3A_17 : vector<2048x1xi32> to vector<2048x64xi32>
    %eq3A_19 = arith.cmpi eq, %iota3A, %eq3A_18 : vector<2048x64xi32>
    %convert_element_type3A = arith.extui %eq3A_19 : vector<2048x64xi1> to vector<2048x64xi32>
    %broadcast_in_dim3A_20 = arith.constant 0 : i32
    %broadcast_in_dim3A_21 = vector.broadcast %broadcast_in_dim3A_20 : i32 to vector<1x64xi32>
    %slice3A = vector.extract_strided_slice %convert_element_type3A {offsets = [0, 0], sizes = [2047, 64], strides = [1, 1]} : vector<2048x64xi32> to vector<2047x64xi32>
    %concatenate3A = tpu.concatenate %broadcast_in_dim3A_21, %slice3A in 0 : vector<1x64xi32>, vector<2047x64xi32> -> vector<2048x64xi32>
    %add3A = arith.addi %convert_element_type3A, %concatenate3A : vector<2048x64xi32>
    %broadcast_in_dim3A_22 = arith.constant 0 : i32
    %broadcast_in_dim3A_23 = vector.broadcast %broadcast_in_dim3A_22 : i32 to vector<2x64xi32>
    %slice3A_24 = vector.extract_strided_slice %add3A {offsets = [0, 0], sizes = [2046, 64], strides = [1, 1]} : vector<2048x64xi32> to vector<2046x64xi32>
    %concatenate3A_25 = tpu.concatenate %broadcast_in_dim3A_23, %slice3A_24 in 0 : vector<2x64xi32>, vector<2046x64xi32> -> vector<2048x64xi32>
    %add3A_26 = arith.addi %add3A, %concatenate3A_25 : vector<2048x64xi32>
    %broadcast_in_dim3A_27 = arith.constant 0 : i32
    %broadcast_in_dim3A_28 = vector.broadcast %broadcast_in_dim3A_27 : i32 to vector<4x64xi32>
    %slice3A_29 = vector.extract_strided_slice %add3A_26 {offsets = [0, 0], sizes = [2044, 64], strides = [1, 1]} : vector<2048x64xi32> to vector<2044x64xi32>
    %concatenate3A_30 = tpu.concatenate %broadcast_in_dim3A_28, %slice3A_29 in 0 : vector<4x64xi32>, vector<2044x64xi32> -> vector<2048x64xi32>
    %add3A_31 = arith.addi %add3A_26, %concatenate3A_30 : vector<2048x64xi32>
    %broadcast_in_dim3A_32 = arith.constant 0 : i32
    %broadcast_in_dim3A_33 = vector.broadcast %broadcast_in_dim3A_32 : i32 to vector<8x64xi32>
    %slice3A_34 = vector.extract_strided_slice %add3A_31 {offsets = [0, 0], sizes = [2040, 64], strides = [1, 1]} : vector<2048x64xi32> to vector<2040x64xi32>
    %concatenate3A_35 = tpu.concatenate %broadcast_in_dim3A_33, %slice3A_34 in 0 : vector<8x64xi32>, vector<2040x64xi32> -> vector<2048x64xi32>
    %add3A_36 = arith.addi %add3A_31, %concatenate3A_35 : vector<2048x64xi32>
    %broadcast_in_dim3A_37 = arith.constant 0 : i32
    %broadcast_in_dim3A_38 = vector.broadcast %broadcast_in_dim3A_37 : i32 to vector<16x64xi32>
    %slice3A_39 = vector.extract_strided_slice %add3A_36 {offsets = [0, 0], sizes = [2032, 64], strides = [1, 1]} : vector<2048x64xi32> to vector<2032x64xi32>
    %concatenate3A_40 = tpu.concatenate %broadcast_in_dim3A_38, %slice3A_39 in 0 : vector<16x64xi32>, vector<2032x64xi32> -> vector<2048x64xi32>
    %add3A_41 = arith.addi %add3A_36, %concatenate3A_40 : vector<2048x64xi32>
    %broadcast_in_dim3A_42 = arith.constant 0 : i32
    %broadcast_in_dim3A_43 = vector.broadcast %broadcast_in_dim3A_42 : i32 to vector<32x64xi32>
    %slice3A_44 = vector.extract_strided_slice %add3A_41 {offsets = [0, 0], sizes = [2016, 64], strides = [1, 1]} : vector<2048x64xi32> to vector<2016x64xi32>
    %concatenate3A_45 = tpu.concatenate %broadcast_in_dim3A_43, %slice3A_44 in 0 : vector<32x64xi32>, vector<2016x64xi32> -> vector<2048x64xi32>
    %add3A_46 = arith.addi %add3A_41, %concatenate3A_45 : vector<2048x64xi32>
    %broadcast_in_dim3A_47 = arith.constant 0 : i32
    %broadcast_in_dim3A_48 = vector.broadcast %broadcast_in_dim3A_47 : i32 to vector<64x64xi32>
    %slice3A_49 = vector.extract_strided_slice %add3A_46 {offsets = [0, 0], sizes = [1984, 64], strides = [1, 1]} : vector<2048x64xi32> to vector<1984x64xi32>
    %concatenate3A_50 = tpu.concatenate %broadcast_in_dim3A_48, %slice3A_49 in 0 : vector<64x64xi32>, vector<1984x64xi32> -> vector<2048x64xi32>
    %add3A_51 = arith.addi %add3A_46, %concatenate3A_50 : vector<2048x64xi32>
    %broadcast_in_dim3A_52 = arith.constant 0 : i32
    %broadcast_in_dim3A_53 = vector.broadcast %broadcast_in_dim3A_52 : i32 to vector<128x64xi32>
    %slice3A_54 = vector.extract_strided_slice %add3A_51 {offsets = [0, 0], sizes = [1920, 64], strides = [1, 1]} : vector<2048x64xi32> to vector<1920x64xi32>
    %concatenate3A_55 = tpu.concatenate %broadcast_in_dim3A_53, %slice3A_54 in 0 : vector<128x64xi32>, vector<1920x64xi32> -> vector<2048x64xi32>
    %add3A_56 = arith.addi %add3A_51, %concatenate3A_55 : vector<2048x64xi32>
    %broadcast_in_dim3A_57 = arith.constant 0 : i32
    %broadcast_in_dim3A_58 = vector.broadcast %broadcast_in_dim3A_57 : i32 to vector<256x64xi32>
    %slice3A_59 = vector.extract_strided_slice %add3A_56 {offsets = [0, 0], sizes = [1792, 64], strides = [1, 1]} : vector<2048x64xi32> to vector<1792x64xi32>
    %concatenate3A_60 = tpu.concatenate %broadcast_in_dim3A_58, %slice3A_59 in 0 : vector<256x64xi32>, vector<1792x64xi32> -> vector<2048x64xi32>
    %add3A_61 = arith.addi %add3A_56, %concatenate3A_60 : vector<2048x64xi32>
    %broadcast_in_dim3A_62 = arith.constant 0 : i32
    %broadcast_in_dim3A_63 = vector.broadcast %broadcast_in_dim3A_62 : i32 to vector<512x64xi32>
    %slice3A_64 = vector.extract_strided_slice %add3A_61 {offsets = [0, 0], sizes = [1536, 64], strides = [1, 1]} : vector<2048x64xi32> to vector<1536x64xi32>
    %concatenate3A_65 = tpu.concatenate %broadcast_in_dim3A_63, %slice3A_64 in 0 : vector<512x64xi32>, vector<1536x64xi32> -> vector<2048x64xi32>
    %add3A_66 = arith.addi %add3A_61, %concatenate3A_65 : vector<2048x64xi32>
    %broadcast_in_dim3A_67 = arith.constant 0 : i32
    %broadcast_in_dim3A_68 = vector.broadcast %broadcast_in_dim3A_67 : i32 to vector<1024x64xi32>
    %slice3A_69 = vector.extract_strided_slice %add3A_66 {offsets = [0, 0], sizes = [1024, 64], strides = [1, 1]} : vector<2048x64xi32> to vector<1024x64xi32>
    %concatenate3A_70 = tpu.concatenate %broadcast_in_dim3A_68, %slice3A_69 in 0 : vector<1024x64xi32>, vector<1024x64xi32> -> vector<2048x64xi32>
    %add3A_71 = arith.addi %add3A_66, %concatenate3A_70 : vector<2048x64xi32>
    %slice3A_72 = vector.extract_strided_slice %add3A_71 {offsets = [2047, 0], sizes = [1, 64], strides = [1, 1]} : vector<2048x64xi32> to vector<1x64xi32>
    %broadcast_in_dim3A_73 = arith.constant 0 : i32
    %broadcast_in_dim3A_74 = vector.broadcast %broadcast_in_dim3A_73 : i32 to vector<1x1xi32>
    %slice3A_75 = vector.extract_strided_slice %slice3A_72 {offsets = [0, 0], sizes = [1, 63], strides = [1, 1]} : vector<1x64xi32> to vector<1x63xi32>
    %concatenate3A_76 = tpu.concatenate %broadcast_in_dim3A_74, %slice3A_75 in 1 : vector<1x1xi32>, vector<1x63xi32> -> vector<1x64xi32>
    %add3A_77 = arith.addi %slice3A_72, %concatenate3A_76 : vector<1x64xi32>
    %broadcast_in_dim3A_78 = arith.constant 0 : i32
    %broadcast_in_dim3A_79 = vector.broadcast %broadcast_in_dim3A_78 : i32 to vector<1x2xi32>
    %slice3A_80 = vector.extract_strided_slice %add3A_77 {offsets = [0, 0], sizes = [1, 62], strides = [1, 1]} : vector<1x64xi32> to vector<1x62xi32>
    %concatenate3A_81 = tpu.concatenate %broadcast_in_dim3A_79, %slice3A_80 in 1 : vector<1x2xi32>, vector<1x62xi32> -> vector<1x64xi32>
    %add3A_82 = arith.addi %add3A_77, %concatenate3A_81 : vector<1x64xi32>
    %broadcast_in_dim3A_83 = arith.constant 0 : i32
    %broadcast_in_dim3A_84 = vector.broadcast %broadcast_in_dim3A_83 : i32 to vector<1x4xi32>
    %slice3A_85 = vector.extract_strided_slice %add3A_82 {offsets = [0, 0], sizes = [1, 60], strides = [1, 1]} : vector<1x64xi32> to vector<1x60xi32>
    %concatenate3A_86 = tpu.concatenate %broadcast_in_dim3A_84, %slice3A_85 in 1 : vector<1x4xi32>, vector<1x60xi32> -> vector<1x64xi32>
    %add3A_87 = arith.addi %add3A_82, %concatenate3A_86 : vector<1x64xi32>
    %broadcast_in_dim3A_88 = arith.constant 0 : i32
    %broadcast_in_dim3A_89 = vector.broadcast %broadcast_in_dim3A_88 : i32 to vector<1x8xi32>
    %slice3A_90 = vector.extract_strided_slice %add3A_87 {offsets = [0, 0], sizes = [1, 56], strides = [1, 1]} : vector<1x64xi32> to vector<1x56xi32>
    %concatenate3A_91 = tpu.concatenate %broadcast_in_dim3A_89, %slice3A_90 in 1 : vector<1x8xi32>, vector<1x56xi32> -> vector<1x64xi32>
    %add3A_92 = arith.addi %add3A_87, %concatenate3A_91 : vector<1x64xi32>
    %broadcast_in_dim3A_93 = arith.constant 0 : i32
    %broadcast_in_dim3A_94 = vector.broadcast %broadcast_in_dim3A_93 : i32 to vector<1x16xi32>
    %slice3A_95 = vector.extract_strided_slice %add3A_92 {offsets = [0, 0], sizes = [1, 48], strides = [1, 1]} : vector<1x64xi32> to vector<1x48xi32>
    %concatenate3A_96 = tpu.concatenate %broadcast_in_dim3A_94, %slice3A_95 in 1 : vector<1x16xi32>, vector<1x48xi32> -> vector<1x64xi32>
    %add3A_97 = arith.addi %add3A_92, %concatenate3A_96 : vector<1x64xi32>
    %broadcast_in_dim3A_98 = arith.constant 0 : i32
    %broadcast_in_dim3A_99 = vector.broadcast %broadcast_in_dim3A_98 : i32 to vector<1x32xi32>
    %slice3A_100 = vector.extract_strided_slice %add3A_97 {offsets = [0, 0], sizes = [1, 32], strides = [1, 1]} : vector<1x64xi32> to vector<1x32xi32>
    %concatenate3A_101 = tpu.concatenate %broadcast_in_dim3A_99, %slice3A_100 in 1 : vector<1x32xi32>, vector<1x32xi32> -> vector<1x64xi32>
    %add3A_102 = arith.addi %add3A_97, %concatenate3A_101 : vector<1x64xi32>
    %sub3A_103 = arith.subi %add3A_102, %slice3A_72 : vector<1x64xi32>
    %add3A_104 = vector.broadcast %sub3A_103 : vector<1x64xi32> to vector<2048x64xi32>
    %add3A_105 = arith.addi %add3A_104, %add3A_71 : vector<2048x64xi32>
    %sub3A_106 = arith.constant 1 : i32
    %sub3A_107 = vector.broadcast %sub3A_106 : i32 to vector<2048x64xi32>
    %sub3A_108 = arith.subi %add3A_105, %sub3A_107 : vector<2048x64xi32>
    %mul3A = arith.muli %convert_element_type3A, %sub3A_108 : vector<2048x64xi32>
    %reduce_sum3A_109 = arith.constant dense<0> : vector<2048xi32>
    %reduce_sum3A_110 = vector.multi_reduction <add>, %mul3A, %reduce_sum3A_109 [1] : vector<2048x64xi32> to vector<2048xi32>
    %broadcast_in_dim3A_111 = vector.shape_cast %reduce_sum3A_110 : vector<2048xi32> to vector<2048x1xi32>
    %swap3A_112 = arith.constant 0 : index
    %swap3A_113 = arith.constant 0 : index
    %swap3A_114 = vector.load %arg2[%swap3A_112, %swap3A_113] : memref<2048x1xi32, #tpu.memory_space<vmem>>, vector<2048x1xi32>
    tpu.vector_store %arg2[%swap3A_112, %swap3A_113], %broadcast_in_dim3A_111 {strides = array<i32>} : memref<2048x1xi32, #tpu.memory_space<vmem>>, vector<2048x1xi32>,
    %broadcast_in_dim3A_115 = arith.constant 0 : i32
    %broadcast_in_dim3A_116 = vector.broadcast %broadcast_in_dim3A_115 : i32 to vector<1x1xi32>
    %concatenate3A_117 = tpu.concatenate %broadcast_in_dim3A_116, %add3A_102 in 1 : vector<1x1xi32>, vector<1x64xi32> -> vector<1x65xi32>
    %swap3A_118 = arith.constant 0 : index
    %swap3A_119 = arith.constant 0 : index
    %swap3A_120 = vector.load %arg4[%swap3A_118, %swap3A_119] : memref<1x65xi32, #tpu.memory_space<vmem>>, vector<1x65xi32>
    tpu.vector_store %arg4[%swap3A_118, %swap3A_119], %concatenate3A_117 {strides = array<i32>} : memref<1x65xi32, #tpu.memory_space<vmem>>, vector<1x65xi32>,
    return
  }
}

module attributes {stable_mosaic.version = 14 : i64} {
  func.func @_moe_body(%arg0: i32, %arg1: memref<65xi32, #tpu.memory_space<smem>>, %arg2: memref<2048x1024xf32, #tpu.memory_space<vmem>>, %arg3: memref<2048x128xf32, #tpu.memory_space<vmem>>, %arg4: memref<1x1024x1024xf32, #tpu.memory_space<vmem>>, %arg5: memref<1x1024x1024xf32, #tpu.memory_space<vmem>>, %arg6: memref<1x1024x1024xf32, #tpu.memory_space<vmem>>, %arg7: memref<2048x1024xf32, #tpu.memory_space<vmem>>) attributes {dimension_semantics = [#tpu.dimension_semantics<arbitrary>], iteration_bounds = array<i64: 64>, scalar_prefetch = 1 : i64, scratch_operands = 0 : i64, tpu.core_type = #tpu.core_type<tc>, window_params = [{pipeline_mode = #tpu.pipeline_mode<synchronous>, transform_indices = @transform_0, window_bounds = array<i64: 2048, 1024>}, {pipeline_mode = #tpu.pipeline_mode<synchronous>, transform_indices = @transform_1, window_bounds = array<i64: 2048, 128>}, {transform_indices = @transform_2, window_bounds = array<i64: 1, 1024, 1024>}, {transform_indices = @transform_3, window_bounds = array<i64: 1, 1024, 1024>}, {transform_indices = @transform_4, window_bounds = array<i64: 1, 1024, 1024>}, {pipeline_mode = #tpu.pipeline_mode<synchronous>, transform_indices = @transform_5, window_bounds = array<i64: 2048, 1024>}]} {
    %get3A = arith.index_cast %arg0 : i32 to index
    %get3A_0 = memref.load %arg1[%get3A] : memref<65xi32, #tpu.memory_space<smem>>
    %add3A = arith.constant 1 : i32
    %add3A_1 = arith.addi %arg0, %add3A : i32
    %get3A_2 = arith.index_cast %add3A_1 : i32 to index
    %get3A_3 = memref.load %arg1[%get3A_2] : memref<65xi32, #tpu.memory_space<smem>>
    %gt3A = arith.cmpi sgt, %get3A_3, %get3A_0 : i32
    %convert_element_type3A = arith.extui %gt3A : i1 to i32
    %cond3A = arith.constant 0 : i32
    %cond3A_4 = arith.cmpi ne, %convert_element_type3A, %cond3A : i32
    scf.if %cond3A_4 {
      %get3A_5 = arith.constant 0 : index
      %get3A_6 = arith.constant 0 : index
      %get3A_7 = arith.constant 0 : index
      %get3A_8 = vector.load %arg4[%get3A_5, %get3A_6, %get3A_7] : memref<1x1024x1024xf32, #tpu.memory_space<vmem>>, vector<1x1024x1024xf32>
      %get3A_9 = vector.shape_cast %get3A_8 : vector<1x1024x1024xf32> to vector<1024x1024xf32>
      %convert_element_type3A_10 = arith.truncf %get3A_9 : vector<1024x1024xf32> to vector<1024x1024xbf16>
      %get3A_11 = arith.constant 0 : index
      %get3A_12 = arith.constant 0 : index
      %get3A_13 = arith.constant 0 : index
      %get3A_14 = vector.load %arg5[%get3A_11, %get3A_12, %get3A_13] : memref<1x1024x1024xf32, #tpu.memory_space<vmem>>, vector<1x1024x1024xf32>
      %get3A_15 = vector.shape_cast %get3A_14 : vector<1x1024x1024xf32> to vector<1024x1024xf32>
      %convert_element_type3A_16 = arith.truncf %get3A_15 : vector<1024x1024xf32> to vector<1024x1024xbf16>
      %get3A_17 = arith.constant 0 : index
      %get3A_18 = arith.constant 0 : index
      %get3A_19 = arith.constant 0 : index
      %get3A_20 = vector.load %arg6[%get3A_17, %get3A_18, %get3A_19] : memref<1x1024x1024xf32, #tpu.memory_space<vmem>>, vector<1x1024x1024xf32>
      %get3A_21 = vector.shape_cast %get3A_20 : vector<1x1024x1024xf32> to vector<1024x1024xf32>
      %convert_element_type3A_22 = arith.truncf %get3A_21 : vector<1024x1024xf32> to vector<1024x1024xbf16>
      %jit3A = arith.constant 8 : i32
      %div3A = arith.divsi %get3A_0, %jit3A : i32
      %sign3A = arith.constant 0 : i32
      %sign3A_23 = arith.cmpi sgt, %get3A_0, %sign3A : i32
      %sign3A_24 = arith.extui %sign3A_23 : i1 to i32
      %sign3A_25 = arith.constant 0 : i32
      %sign3A_26 = arith.cmpi slt, %get3A_0, %sign3A_25 : i32
      %sign3A_27 = arith.extui %sign3A_26 : i1 to i32
      %sign3A_28 = arith.subi %sign3A_24, %sign3A_27 : i32
      %sign3A_29 = arith.constant 0 : i32
      %sign3A_30 = arith.cmpi sgt, %jit3A, %sign3A_29 : i32
      %sign3A_31 = arith.extui %sign3A_30 : i1 to i32
      %sign3A_32 = arith.constant 0 : i32
      %sign3A_33 = arith.cmpi slt, %jit3A, %sign3A_32 : i32
      %sign3A_34 = arith.extui %sign3A_33 : i1 to i32
      %sign3A_35 = arith.subi %sign3A_31, %sign3A_34 : i32
      %ne3A = arith.cmpi ne, %sign3A_28, %sign3A_35 : i32
      %rem3A = arith.remsi %get3A_0, %jit3A : i32
      %ne3A_36 = arith.constant 0 : i32
      %ne3A_37 = arith.cmpi ne, %rem3A, %ne3A_36 : i32
      %and3A = arith.andi %ne3A, %ne3A_37 : i1
      %sub3A = arith.constant 1 : i32
      %sub3A_38 = arith.subi %div3A, %sub3A : i32
      %select_n3A = arith.select %and3A, %sub3A_38, %div3A : i32
      %mul3A = arith.constant 8 : i32
      %mul3A_39 = arith.muli %select_n3A, %mul3A : i32
      %min3A = arith.constant 1984 : i32
      %min3A_40 = arith.minsi %mul3A_39, %min3A : i32
      %sub3A_41 = arith.subi %get3A_3, %min3A_40 : i32
      %add3A_42 = arith.constant 64 : i32
      %add3A_43 = arith.addi %sub3A_41, %add3A_42 : i32
      %sub3A_44 = arith.constant 1 : i32
      %sub3A_45 = arith.subi %add3A_43, %sub3A_44 : i32
      %jit3A_46 = arith.constant 64 : i32
      %div3A_47 = arith.divsi %sub3A_45, %jit3A_46 : i32
      %sign3A_48 = arith.constant 0 : i32
      %sign3A_49 = arith.cmpi sgt, %sub3A_45, %sign3A_48 : i32
      %sign3A_50 = arith.extui %sign3A_49 : i1 to i32
      %sign3A_51 = arith.constant 0 : i32
      %sign3A_52 = arith.cmpi slt, %sub3A_45, %sign3A_51 : i32
      %sign3A_53 = arith.extui %sign3A_52 : i1 to i32
      %sign3A_54 = arith.subi %sign3A_50, %sign3A_53 : i32
      %sign3A_55 = arith.constant 0 : i32
      %sign3A_56 = arith.cmpi sgt, %jit3A_46, %sign3A_55 : i32
      %sign3A_57 = arith.extui %sign3A_56 : i1 to i32
      %sign3A_58 = arith.constant 0 : i32
      %sign3A_59 = arith.cmpi slt, %jit3A_46, %sign3A_58 : i32
      %sign3A_60 = arith.extui %sign3A_59 : i1 to i32
      %sign3A_61 = arith.subi %sign3A_57, %sign3A_60 : i32
      %ne3A_62 = arith.cmpi ne, %sign3A_54, %sign3A_61 : i32
      %rem3A_63 = arith.remsi %sub3A_45, %jit3A_46 : i32
      %ne3A_64 = arith.constant 0 : i32
      %ne3A_65 = arith.cmpi ne, %rem3A_63, %ne3A_64 : i32
      %and3A_66 = arith.andi %ne3A_62, %ne3A_65 : i1
      %sub3A_67 = arith.constant 1 : i32
      %sub3A_68 = arith.subi %div3A_47, %sub3A_67 : i32
      %select_n3A_69 = arith.select %and3A_66, %sub3A_68, %div3A_47 : i32
      %get3A_70 = arith.index_cast %min3A_40 : i32 to index
      %get3A_71 = arith.constant 0 : index
      %get3A_72 = vector.load %arg2[%get3A_70, %get3A_71] : memref<2048x1024xf32, #tpu.memory_space<vmem>>, vector<64x1024xf32>
      %convert_element_type3A_73 = arith.truncf %get3A_72 : vector<64x1024xf32> to vector<64x1024xbf16>
      %dot_general3A = arith.constant dense<0.000000e+00> : vector<64x1024xf32>
      %dot_general3A_74 = tpu.matmul %convert_element_type3A_73, %convert_element_type3A_10, %dot_general3A {dimension_numbers = #tpu.dot_dimension_numbers<[1], [1], [0], [0], [0, 0, 1, 0], [], []>, transpose_lhs_hint = false} : vector<64x1024xbf16>, vector<1024x1024xbf16>, vector<64x1024xf32> -> vector<64x1024xf32>
      %logistic3A = arith.negf %dot_general3A_74 : vector<64x1024xf32>
      %logistic3A_75 = math.exp %logistic3A : vector<64x1024xf32>
      %logistic3A_76 = arith.constant 1.000000e+00 : f32
      %logistic3A_77 = vector.broadcast %logistic3A_76 : f32 to vector<64x1024xf32>
      %logistic3A_78 = arith.addf %logistic3A_77, %logistic3A_75 : vector<64x1024xf32>
      %logistic3A_79 = arith.divf %logistic3A_77, %logistic3A_78 : vector<64x1024xf32>
      %mul3A_80 = arith.mulf %dot_general3A_74, %logistic3A_79 : vector<64x1024xf32>
      %dot_general3A_81 = arith.constant dense<0.000000e+00> : vector<64x1024xf32>
      %dot_general3A_82 = tpu.matmul %convert_element_type3A_73, %convert_element_type3A_22, %dot_general3A_81 {dimension_numbers = #tpu.dot_dimension_numbers<[1], [1], [0], [0], [0, 0, 1, 0], [], []>, transpose_lhs_hint = false} : vector<64x1024xbf16>, vector<1024x1024xbf16>, vector<64x1024xf32> -> vector<64x1024xf32>
      %mul3A_83 = arith.mulf %mul3A_80, %dot_general3A_82 : vector<64x1024xf32>
      %convert_element_type3A_84 = arith.truncf %mul3A_83 : vector<64x1024xf32> to vector<64x1024xbf16>
      %dot_general3A_85 = arith.constant dense<0.000000e+00> : vector<64x1024xf32>
      %dot_general3A_86 = tpu.matmul %convert_element_type3A_84, %convert_element_type3A_16, %dot_general3A_85 {dimension_numbers = #tpu.dot_dimension_numbers<[1], [1], [0], [0], [0, 0, 1, 0], [], []>, transpose_lhs_hint = false} : vector<64x1024xbf16>, vector<1024x1024xbf16>, vector<64x1024xf32> -> vector<64x1024xf32>
      %iota3A = tpu.iota {dimensions = array<i32: 0>} : vector<64x1xi32>
      %add3A_87 = vector.broadcast %min3A_40 : i32 to vector<64x1xi32>
      %add3A_88 = arith.addi %add3A_87, %iota3A : vector<64x1xi32>
      %ge3A = vector.broadcast %get3A_0 : i32 to vector<64x1xi32>
      %ge3A_89 = arith.cmpi sge, %add3A_88, %ge3A : vector<64x1xi32>
      %lt3A = vector.broadcast %get3A_3 : i32 to vector<64x1xi32>
      %lt3A_90 = arith.cmpi slt, %add3A_88, %lt3A : vector<64x1xi32>
      %and3A_91 = arith.andi %ge3A_89, %lt3A_90 : vector<64x1xi1>
      %get3A_92 = arith.index_cast %min3A_40 : i32 to index
      %get3A_93 = arith.constant 0 : index
      %get3A_94 = vector.load %arg3[%get3A_92, %get3A_93] : memref<2048x128xf32, #tpu.memory_space<vmem>>, vector<64x1xf32>
      %mul3A_95 = vector.broadcast %get3A_94 : vector<64x1xf32> to vector<64x1024xf32>
      %mul3A_96 = arith.mulf %dot_general3A_86, %mul3A_95 : vector<64x1024xf32>
      %get3A_97 = arith.index_cast %min3A_40 : i32 to index
      %get3A_98 = arith.constant 0 : index
      %get3A_99 = vector.load %arg7[%get3A_97, %get3A_98] : memref<2048x1024xf32, #tpu.memory_space<vmem>>, vector<64x1024xf32>
      %broadcast_in_dim3A = vector.shape_cast %and3A_91 : vector<64x1xi1> to vector<64x1xi1>
      %broadcast_in_dim3A_100 = vector.broadcast %broadcast_in_dim3A : vector<64x1xi1> to vector<64x1024xi1>
      %select_n3A_101 = arith.select %broadcast_in_dim3A_100, %mul3A_96, %get3A_99 : vector<64x1024xi1>, vector<64x1024xf32>
      %swap3A = arith.index_cast %min3A_40 : i32 to index
      %swap3A_102 = arith.constant 0 : index
      %swap3A_103 = vector.load %arg7[%swap3A, %swap3A_102] : memref<2048x1024xf32, #tpu.memory_space<vmem>>, vector<64x1024xf32>
      tpu.vector_store %arg7[%swap3A, %swap3A_102], %select_n3A_101 {strides = array<i32>} : memref<2048x1024xf32, #tpu.memory_space<vmem>>, vector<64x1024xf32>,
      %gt3A_104 = arith.constant 1 : i32
      %gt3A_105 = arith.cmpi sgt, %select_n3A_69, %gt3A_104 : i32
      %convert_element_type3A_106 = arith.extui %gt3A_105 : i1 to i32
      %cond3A_107 = arith.constant 0 : i32
      %cond3A_108 = arith.cmpi ne, %convert_element_type3A_106, %cond3A_107 : i32
      scf.if %cond3A_108 {
        %while3A = arith.constant 0 : i32
        %while3A_109 = arith.constant 1 : i32
        %while3A_110 = arith.subi %select_n3A_69, %while3A_109 : i32
        %while3A_111 = arith.addi %while3A_109, %while3A_110 : i32
        %while3A_112 = arith.constant 1 : i32
        %while3A_113 = arith.divsi %while3A_110, %while3A_112 : i32
        %while3A_114 = arith.muli %while3A_113, %while3A_112 : i32
        %while3A_115 = arith.addi %while3A_109, %while3A_114 : i32
        %while3A_116 = arith.constant 1 : i32
        scf.for %while3A_118 = %while3A_109 to %while3A_115 step %while3A_116  : i32 {
          %mul3A_119 = arith.constant 64 : i32
          %mul3A_120 = arith.muli %while3A_118, %mul3A_119 : i32
          %add3A_121 = arith.addi %min3A_40, %mul3A_120 : i32
          %min3A_122 = arith.constant 1984 : i32
          %min3A_123 = arith.minsi %add3A_121, %min3A_122 : i32
          %get3A_124 = arith.index_cast %min3A_123 : i32 to index
          %get3A_125 = arith.constant 0 : index
          %get3A_126 = vector.load %arg2[%get3A_124, %get3A_125] : memref<2048x1024xf32, #tpu.memory_space<vmem>>, vector<64x1024xf32>
          %convert_element_type3A_127 = arith.truncf %get3A_126 : vector<64x1024xf32> to vector<64x1024xbf16>
          %dot_general3A_128 = arith.constant dense<0.000000e+00> : vector<64x1024xf32>
          %dot_general3A_129 = tpu.matmul %convert_element_type3A_127, %convert_element_type3A_10, %dot_general3A_128 {dimension_numbers = #tpu.dot_dimension_numbers<[1], [1], [0], [0], [0, 0, 1, 0], [], []>, transpose_lhs_hint = false} : vector<64x1024xbf16>, vector<1024x1024xbf16>, vector<64x1024xf32> -> vector<64x1024xf32>
          %logistic3A_130 = arith.negf %dot_general3A_129 : vector<64x1024xf32>
          %logistic3A_131 = math.exp %logistic3A_130 : vector<64x1024xf32>
          %logistic3A_132 = arith.constant 1.000000e+00 : f32
          %logistic3A_133 = vector.broadcast %logistic3A_132 : f32 to vector<64x1024xf32>
          %logistic3A_134 = arith.addf %logistic3A_133, %logistic3A_131 : vector<64x1024xf32>
          %logistic3A_135 = arith.divf %logistic3A_133, %logistic3A_134 : vector<64x1024xf32>
          %mul3A_136 = arith.mulf %dot_general3A_129, %logistic3A_135 : vector<64x1024xf32>
          %dot_general3A_137 = arith.constant dense<0.000000e+00> : vector<64x1024xf32>
          %dot_general3A_138 = tpu.matmul %convert_element_type3A_127, %convert_element_type3A_22, %dot_general3A_137 {dimension_numbers = #tpu.dot_dimension_numbers<[1], [1], [0], [0], [0, 0, 1, 0], [], []>, transpose_lhs_hint = false} : vector<64x1024xbf16>, vector<1024x1024xbf16>, vector<64x1024xf32> -> vector<64x1024xf32>
          %mul3A_139 = arith.mulf %mul3A_136, %dot_general3A_138 : vector<64x1024xf32>
          %convert_element_type3A_140 = arith.truncf %mul3A_139 : vector<64x1024xf32> to vector<64x1024xbf16>
          %dot_general3A_141 = arith.constant dense<0.000000e+00> : vector<64x1024xf32>
          %dot_general3A_142 = tpu.matmul %convert_element_type3A_140, %convert_element_type3A_16, %dot_general3A_141 {dimension_numbers = #tpu.dot_dimension_numbers<[1], [1], [0], [0], [0, 0, 1, 0], [], []>, transpose_lhs_hint = false} : vector<64x1024xbf16>, vector<1024x1024xbf16>, vector<64x1024xf32> -> vector<64x1024xf32>
          %iota3A_143 = tpu.iota {dimensions = array<i32: 0>} : vector<64x1xi32>
          %add3A_144 = vector.broadcast %min3A_123 : i32 to vector<64x1xi32>
          %add3A_145 = arith.addi %add3A_144, %iota3A_143 : vector<64x1xi32>
          %ge3A_146 = vector.broadcast %get3A_0 : i32 to vector<64x1xi32>
          %ge3A_147 = arith.cmpi sge, %add3A_145, %ge3A_146 : vector<64x1xi32>
          %lt3A_148 = vector.broadcast %get3A_3 : i32 to vector<64x1xi32>
          %lt3A_149 = arith.cmpi slt, %add3A_145, %lt3A_148 : vector<64x1xi32>
          %and3A_150 = arith.andi %ge3A_147, %lt3A_149 : vector<64x1xi1>
          %get3A_151 = arith.index_cast %min3A_123 : i32 to index
          %get3A_152 = arith.constant 0 : index
          %get3A_153 = vector.load %arg3[%get3A_151, %get3A_152] : memref<2048x128xf32, #tpu.memory_space<vmem>>, vector<64x1xf32>
          %mul3A_154 = vector.broadcast %get3A_153 : vector<64x1xf32> to vector<64x1024xf32>
          %mul3A_155 = arith.mulf %dot_general3A_142, %mul3A_154 : vector<64x1024xf32>
          %get3A_156 = arith.index_cast %min3A_123 : i32 to index
          %get3A_157 = arith.constant 0 : index
          %get3A_158 = vector.load %arg7[%get3A_156, %get3A_157] : memref<2048x1024xf32, #tpu.memory_space<vmem>>, vector<64x1024xf32>
          %broadcast_in_dim3A_159 = vector.shape_cast %and3A_150 : vector<64x1xi1> to vector<64x1xi1>
          %broadcast_in_dim3A_160 = vector.broadcast %broadcast_in_dim3A_159 : vector<64x1xi1> to vector<64x1024xi1>
          %select_n3A_161 = arith.select %broadcast_in_dim3A_160, %mul3A_155, %get3A_158 : vector<64x1024xi1>, vector<64x1024xf32>
          %swap3A_162 = arith.index_cast %min3A_123 : i32 to index
          %swap3A_163 = arith.constant 0 : index
          %swap3A_164 = vector.load %arg7[%swap3A_162, %swap3A_163] : memref<2048x1024xf32, #tpu.memory_space<vmem>>, vector<64x1024xf32>
          tpu.vector_store %arg7[%swap3A_162, %swap3A_163], %select_n3A_161 {strides = array<i32>} : memref<2048x1024xf32, #tpu.memory_space<vmem>>, vector<64x1024xf32>,
        }
        %while3A_117 = arith.constant 1 : i32
        scf.for %while3A_118 = %while3A_115 to %while3A_111 step %while3A_117  : i32 {
          %mul3A_119 = arith.constant 64 : i32
          %mul3A_120 = arith.muli %while3A_118, %mul3A_119 : i32
          %add3A_121 = arith.addi %min3A_40, %mul3A_120 : i32
          %min3A_122 = arith.constant 1984 : i32
          %min3A_123 = arith.minsi %add3A_121, %min3A_122 : i32
          %get3A_124 = arith.index_cast %min3A_123 : i32 to index
          %get3A_125 = arith.constant 0 : index
          %get3A_126 = vector.load %arg2[%get3A_124, %get3A_125] : memref<2048x1024xf32, #tpu.memory_space<vmem>>, vector<64x1024xf32>
          %convert_element_type3A_127 = arith.truncf %get3A_126 : vector<64x1024xf32> to vector<64x1024xbf16>
          %dot_general3A_128 = arith.constant dense<0.000000e+00> : vector<64x1024xf32>
          %dot_general3A_129 = tpu.matmul %convert_element_type3A_127, %convert_element_type3A_10, %dot_general3A_128 {dimension_numbers = #tpu.dot_dimension_numbers<[1], [1], [0], [0], [0, 0, 1, 0], [], []>, transpose_lhs_hint = false} : vector<64x1024xbf16>, vector<1024x1024xbf16>, vector<64x1024xf32> -> vector<64x1024xf32>
          %logistic3A_130 = arith.negf %dot_general3A_129 : vector<64x1024xf32>
          %logistic3A_131 = math.exp %logistic3A_130 : vector<64x1024xf32>
          %logistic3A_132 = arith.constant 1.000000e+00 : f32
          %logistic3A_133 = vector.broadcast %logistic3A_132 : f32 to vector<64x1024xf32>
          %logistic3A_134 = arith.addf %logistic3A_133, %logistic3A_131 : vector<64x1024xf32>
          %logistic3A_135 = arith.divf %logistic3A_133, %logistic3A_134 : vector<64x1024xf32>
          %mul3A_136 = arith.mulf %dot_general3A_129, %logistic3A_135 : vector<64x1024xf32>
          %dot_general3A_137 = arith.constant dense<0.000000e+00> : vector<64x1024xf32>
          %dot_general3A_138 = tpu.matmul %convert_element_type3A_127, %convert_element_type3A_22, %dot_general3A_137 {dimension_numbers = #tpu.dot_dimension_numbers<[1], [1], [0], [0], [0, 0, 1, 0], [], []>, transpose_lhs_hint = false} : vector<64x1024xbf16>, vector<1024x1024xbf16>, vector<64x1024xf32> -> vector<64x1024xf32>
          %mul3A_139 = arith.mulf %mul3A_136, %dot_general3A_138 : vector<64x1024xf32>
          %convert_element_type3A_140 = arith.truncf %mul3A_139 : vector<64x1024xf32> to vector<64x1024xbf16>
          %dot_general3A_141 = arith.constant dense<0.000000e+00> : vector<64x1024xf32>
          %dot_general3A_142 = tpu.matmul %convert_element_type3A_140, %convert_element_type3A_16, %dot_general3A_141 {dimension_numbers = #tpu.dot_dimension_numbers<[1], [1], [0], [0], [0, 0, 1, 0], [], []>, transpose_lhs_hint = false} : vector<64x1024xbf16>, vector<1024x1024xbf16>, vector<64x1024xf32> -> vector<64x1024xf32>
          %iota3A_143 = tpu.iota {dimensions = array<i32: 0>} : vector<64x1xi32>
          %add3A_144 = vector.broadcast %min3A_123 : i32 to vector<64x1xi32>
          %add3A_145 = arith.addi %add3A_144, %iota3A_143 : vector<64x1xi32>
          %ge3A_146 = vector.broadcast %get3A_0 : i32 to vector<64x1xi32>
          %ge3A_147 = arith.cmpi sge, %add3A_145, %ge3A_146 : vector<64x1xi32>
          %lt3A_148 = vector.broadcast %get3A_3 : i32 to vector<64x1xi32>
          %lt3A_149 = arith.cmpi slt, %add3A_145, %lt3A_148 : vector<64x1xi32>
          %and3A_150 = arith.andi %ge3A_147, %lt3A_149 : vector<64x1xi1>
          %get3A_151 = arith.index_cast %min3A_123 : i32 to index
          %get3A_152 = arith.constant 0 : index
          %get3A_153 = vector.load %arg3[%get3A_151, %get3A_152] : memref<2048x128xf32, #tpu.memory_space<vmem>>, vector<64x1xf32>
          %mul3A_154 = vector.broadcast %get3A_153 : vector<64x1xf32> to vector<64x1024xf32>
          %mul3A_155 = arith.mulf %dot_general3A_142, %mul3A_154 : vector<64x1024xf32>
          %get3A_156 = arith.index_cast %min3A_123 : i32 to index
          %get3A_157 = arith.constant 0 : index
          %get3A_158 = vector.load %arg7[%get3A_156, %get3A_157] : memref<2048x1024xf32, #tpu.memory_space<vmem>>, vector<64x1024xf32>
          %broadcast_in_dim3A_159 = vector.shape_cast %and3A_150 : vector<64x1xi1> to vector<64x1xi1>
          %broadcast_in_dim3A_160 = vector.broadcast %broadcast_in_dim3A_159 : vector<64x1xi1> to vector<64x1024xi1>
          %select_n3A_161 = arith.select %broadcast_in_dim3A_160, %mul3A_155, %get3A_158 : vector<64x1024xi1>, vector<64x1024xf32>
          %swap3A_162 = arith.index_cast %min3A_123 : i32 to index
          %swap3A_163 = arith.constant 0 : index
          %swap3A_164 = vector.load %arg7[%swap3A_162, %swap3A_163] : memref<2048x1024xf32, #tpu.memory_space<vmem>>, vector<64x1024xf32>
          tpu.vector_store %arg7[%swap3A_162, %swap3A_163], %select_n3A_161 {strides = array<i32>} : memref<2048x1024xf32, #tpu.memory_space<vmem>>, vector<64x1024xf32>,
        }
      } else {
      }
    } else {
    }
    return
  }
  func.func @transform_0(%arg0: i32, %arg1: memref<65xi32, #tpu.memory_space<smem>>) -> (i32, i32) {
    %c0_i32 = arith.constant 0 : i32
    %c0_i32_0 = arith.constant 0 : i32
    %c0_i32_1 = arith.constant 0 : i32
    return %c0_i32, %c0_i32_0 : i32, i32
  }
  func.func @transform_1(%arg0: i32, %arg1: memref<65xi32, #tpu.memory_space<smem>>) -> (i32, i32) {
    %c0_i32 = arith.constant 0 : i32
    %c0_i32_0 = arith.constant 0 : i32
    %c0_i32_1 = arith.constant 0 : i32
    return %c0_i32, %c0_i32_0 : i32, i32
  }
  func.func @transform_2(%arg0: i32, %arg1: memref<65xi32, #tpu.memory_space<smem>>) -> (i32, i32, i32) {
    %c0_i32 = arith.constant 0 : i32
    %c0_i32_0 = arith.constant 0 : i32
    %c0_i32_1 = arith.constant 0 : i32
    return %arg0, %c0_i32, %c0_i32_0 : i32, i32, i32
  }
  func.func @transform_3(%arg0: i32, %arg1: memref<65xi32, #tpu.memory_space<smem>>) -> (i32, i32, i32) {
    %c0_i32 = arith.constant 0 : i32
    %c0_i32_0 = arith.constant 0 : i32
    %c0_i32_1 = arith.constant 0 : i32
    return %arg0, %c0_i32, %c0_i32_0 : i32, i32, i32
  }
  func.func @transform_4(%arg0: i32, %arg1: memref<65xi32, #tpu.memory_space<smem>>) -> (i32, i32, i32) {
    %c0_i32 = arith.constant 0 : i32
    %c0_i32_0 = arith.constant 0 : i32
    %c0_i32_1 = arith.constant 0 : i32
    return %arg0, %c0_i32, %c0_i32_0 : i32, i32, i32
  }
  func.func @transform_5(%arg0: i32, %arg1: memref<65xi32, #tpu.memory_space<smem>>) -> (i32, i32) {
    %c0_i32 = arith.constant 0 : i32
    %c0_i32_0 = arith.constant 0 : i32
    %c0_i32_1 = arith.constant 0 : i32
    return %c0_i32, %c0_i32_0 : i32, i32
  }
}

module attributes {stable_mosaic.version = 14 : i64} {
  func.func @_shared_body(%arg0: i32, %arg1: memref<256x1024xf32, #tpu.memory_space<vmem>>, %arg2: memref<256x1024xf32, #tpu.memory_space<vmem>>, %arg3: memref<1024x1024xf32, #tpu.memory_space<vmem>>, %arg4: memref<1024x1024xf32, #tpu.memory_space<vmem>>, %arg5: memref<1024x1024xf32, #tpu.memory_space<vmem>>, %arg6: memref<256x1024xf32, #tpu.memory_space<vmem>>) attributes {dimension_semantics = [#tpu.dimension_semantics<arbitrary>], iteration_bounds = array<i64: 8>, scalar_prefetch = 0 : i64, scratch_operands = 0 : i64, tpu.core_type = #tpu.core_type<tc>, window_params = [{transform_indices = @transform_0, window_bounds = array<i64: 256, 1024>}, {transform_indices = @transform_1, window_bounds = array<i64: 256, 1024>}, {pipeline_mode = #tpu.pipeline_mode<synchronous>, transform_indices = @transform_2, window_bounds = array<i64: 1024, 1024>}, {pipeline_mode = #tpu.pipeline_mode<synchronous>, transform_indices = @transform_3, window_bounds = array<i64: 1024, 1024>}, {pipeline_mode = #tpu.pipeline_mode<synchronous>, transform_indices = @transform_4, window_bounds = array<i64: 1024, 1024>}, {transform_indices = @transform_5, window_bounds = array<i64: 256, 1024>}]} {
    %get3A = arith.constant 0 : index
    %get3A_0 = arith.constant 0 : index
    %get3A_1 = vector.load %arg1[%get3A, %get3A_0] : memref<256x1024xf32, #tpu.memory_space<vmem>>, vector<256x1024xf32>
    %get3A_2 = arith.constant 0 : index
    %get3A_3 = arith.constant 0 : index
    %get3A_4 = vector.load %arg3[%get3A_2, %get3A_3] : memref<1024x1024xf32, #tpu.memory_space<vmem>>, vector<1024x1024xf32>
    %dot_general3A = arith.constant dense<0.000000e+00> : vector<256x1024xf32>
    %dot_general3A_5 = tpu.matmul %get3A_1, %get3A_4, %dot_general3A {dimension_numbers = #tpu.dot_dimension_numbers<[1], [1], [0], [0], [0, 0, 1, 0], [], []>, transpose_lhs_hint = false} : vector<256x1024xf32>, vector<1024x1024xf32>, vector<256x1024xf32> -> vector<256x1024xf32>
    %logistic3A = arith.negf %dot_general3A_5 : vector<256x1024xf32>
    %logistic3A_6 = math.exp %logistic3A : vector<256x1024xf32>
    %logistic3A_7 = arith.constant 1.000000e+00 : f32
    %logistic3A_8 = vector.broadcast %logistic3A_7 : f32 to vector<256x1024xf32>
    %logistic3A_9 = arith.addf %logistic3A_8, %logistic3A_6 : vector<256x1024xf32>
    %logistic3A_10 = arith.divf %logistic3A_8, %logistic3A_9 : vector<256x1024xf32>
    %mul3A = arith.mulf %dot_general3A_5, %logistic3A_10 : vector<256x1024xf32>
    %get3A_11 = arith.constant 0 : index
    %get3A_12 = arith.constant 0 : index
    %get3A_13 = vector.load %arg4[%get3A_11, %get3A_12] : memref<1024x1024xf32, #tpu.memory_space<vmem>>, vector<1024x1024xf32>
    %dot_general3A_14 = arith.constant dense<0.000000e+00> : vector<256x1024xf32>
    %dot_general3A_15 = tpu.matmul %get3A_1, %get3A_13, %dot_general3A_14 {dimension_numbers = #tpu.dot_dimension_numbers<[1], [1], [0], [0], [0, 0, 1, 0], [], []>, transpose_lhs_hint = false} : vector<256x1024xf32>, vector<1024x1024xf32>, vector<256x1024xf32> -> vector<256x1024xf32>
    %mul3A_16 = arith.mulf %mul3A, %dot_general3A_15 : vector<256x1024xf32>
    %get3A_17 = arith.constant 0 : index
    %get3A_18 = arith.constant 0 : index
    %get3A_19 = vector.load %arg2[%get3A_17, %get3A_18] : memref<256x1024xf32, #tpu.memory_space<vmem>>, vector<256x1024xf32>
    %get3A_20 = arith.constant 0 : index
    %get3A_21 = arith.constant 0 : index
    %get3A_22 = vector.load %arg5[%get3A_20, %get3A_21] : memref<1024x1024xf32, #tpu.memory_space<vmem>>, vector<1024x1024xf32>
    %dot_general3A_23 = arith.constant dense<0.000000e+00> : vector<256x1024xf32>
    %dot_general3A_24 = tpu.matmul %mul3A_16, %get3A_22, %dot_general3A_23 {dimension_numbers = #tpu.dot_dimension_numbers<[1], [1], [0], [0], [0, 0, 1, 0], [], []>, transpose_lhs_hint = false} : vector<256x1024xf32>, vector<1024x1024xf32>, vector<256x1024xf32> -> vector<256x1024xf32>
    %add3A = arith.addf %get3A_19, %dot_general3A_24 : vector<256x1024xf32>
    %swap3A = arith.constant 0 : index
    %swap3A_25 = arith.constant 0 : index
    %swap3A_26 = vector.load %arg6[%swap3A, %swap3A_25] : memref<256x1024xf32, #tpu.memory_space<vmem>>, vector<256x1024xf32>
    tpu.vector_store %arg6[%swap3A, %swap3A_25], %add3A {strides = array<i32>} : memref<256x1024xf32, #tpu.memory_space<vmem>>, vector<256x1024xf32>,
    return
  }
  func.func @transform_0(%arg0: i32) -> (i32, i32) {
    %c0_i32 = arith.constant 0 : i32
    %c0_i32_0 = arith.constant 0 : i32
    return %arg0, %c0_i32 : i32, i32
  }
  func.func @transform_1(%arg0: i32) -> (i32, i32) {
    %c0_i32 = arith.constant 0 : i32
    %c0_i32_0 = arith.constant 0 : i32
    return %arg0, %c0_i32 : i32, i32
  }
  func.func @transform_2(%arg0: i32) -> (i32, i32) {
    %c0_i32 = arith.constant 0 : i32
    %c0_i32_0 = arith.constant 0 : i32
    %c0_i32_1 = arith.constant 0 : i32
    return %c0_i32, %c0_i32_0 : i32, i32
  }
  func.func @transform_3(%arg0: i32) -> (i32, i32) {
    %c0_i32 = arith.constant 0 : i32
    %c0_i32_0 = arith.constant 0 : i32
    %c0_i32_1 = arith.constant 0 : i32
    return %c0_i32, %c0_i32_0 : i32, i32
  }
  func.func @transform_4(%arg0: i32) -> (i32, i32) {
    %c0_i32 = arith.constant 0 : i32
    %c0_i32_0 = arith.constant 0 : i32
    %c0_i32_1 = arith.constant 0 : i32
    return %c0_i32, %c0_i32_0 : i32, i32
  }
  func.func @transform_5(%arg0: i32) -> (i32, i32) {
    %c0_i32 = arith.constant 0 : i32
    %c0_i32_0 = arith.constant 0 : i32
    return %arg0, %c0_i32 : i32, i32
  }
}

</mosaic_0001>

<sc_bundles>
// kernel: kernel.10.cloned.1.call-start
scs
__scs_entry_jumppad:
0x0: {  	(pc) =	sbr.rel $0x88, $3  }
0x1: {  	(tag) =	ssettag $0x0;
	lr =	simm.s32 $0x1  }
0x2: {  	[smem:$0x3F99] =	sst lr;
	_ =	strace $0xD0000000  }
0x3: {  	_ = 	snop  }
0x4: {  	_ = 	snop  }
0x5: {  	_ = 	snop  }
0x6: {  	_ = 	snop  }
0x7: {  	_ = 	snop  }
__scs_overlays_trampoline_lowered:
0x8: {  	[smem:$0x3FA8] =	sst s0  }
0x9: {  	[smem:$0x3FA9] =	sst s1  }
0xa: {  	[smem:$0x3FAA] =	sst s2  }
0xb: {  	[smem:$0x3FAB] =	sst s3  }
0xc: {  	[smem:$0x3FAC] =	sst s4  }
0xd: {  	[smem:$0x3FAD] =	sst s5  }
0xe: {  	[smem:$0x3FAE] =	sst s6  }
0xf: {  	[smem:$0x3FAF] =	sst s7  }
0x10: {  	[smem:$0x3FB0] =	sst s8  }
0x11: {  	[smem:$0x3FB1] =	sst s9;
	s0 =	simm.s32 @!p0 $0x0  }
0x12: {  	s1 =	sld [smem:$0x3F97];
	s0 =	simm.s32 @p0 $0x1  }
0x13: {  	[smem:$0x3FB2] =	sst s0;
	s0 =	simm.s32 @!p1 $0x0  }
0x14: {  	s2 =	sld [smem:$0x3F96];
	s0 =	simm.s32 @p1 $0x1  }
0x15: {  	[smem:$0x3FB3] =	sst s0;
	s0 =	simm.s32 @!p2 $0x0  }
0x16: {  	s3 =	sld [smem:$0x3FDB];
	s0 =	simm.s32 @p2 $0x1  }
0x17: {  	s4 =	simm.s32 $0x1BF5;
	[smem:$0x3FB5] =	sst s0  }
0x18: {  	s0 =	sld [smem:$0x3F98];
	_ =	swait.ge [sflag:s4], $0x0  }
0x19: {  	s7 =	sld [smem:$0x3F99]  }
0x1a: {  	s8 =	sadd.s32 $0xFFFFE003, lr  }
0x1b: {  	s9 =	sadd.s32 $0xFFFFFEF7, lr;
	s5 =	simm.s32 $0xFFFFFFFF;
	p2 =	slt.u32 s8, $0xFFFFF086  }
0x1c: {  	p1 =	slt.u32 s9, $0xF7A;
	s5 =	simm.s32 @!p2 $0x0  }
0x1d: {  	s5 =	simm.s32 @p1 $0x1;
	p0 =	seq.s32 s7, s2  }
0x1e: {  	s7 =	smul.u32 @!p0 $0xF7A, s2;
	p2 =	seq.s32 @!p0 s5, $0x0  }
0x1f: {  	s9 =	smul.u32 $0xF7A, s1;
	s8 =	simm.s32 @!p0 $0x1BF5;
	p2 =	por !p2, p0  }
0x20: {  	[sflag:s8] =	ssyncset.s32 @!p0 $0xFFFFF086;
	s6 =	sadd.s32 @!p0 s3, s7;
	s7 =	simm.s32 @!p0 $0x108  }
0x21: {  	s3 =	sadd.s32 s3, s9;
	s6 =	sadd.s32 @!p0 $0x88, s6;
	s7 =	simm.s32 @p2 $0x1082  }
0x22: {  	[simem:s7], [sflag:s8] =	dma.local @!p0 [hbm:s6], $0xF7A  }
0x23: {  	s9 =	sor.u32 $0xD0000000, s2;
	s6 =	simm.s32 $0x108;
	_ =	swait.ge @!p0 [sflag:s8], $0x0  }
0x24: {  	s3 =	sadd.s32 $0x88, s3;
	s6 =	simm.s32 @!p1 $0x1082;
	[sflag:s4] =	ssyncset.s32 $0xFFFFF086  }
0x25: {  	[simem:s6], [sflag:s4] =	dma.local [hbm:s3], $0xF7A  }
0x26: {  	[smem:$0x3F99] =	sst s1;
	(tag) =	ssettag s2;
	_ =	strace s9  }
0x27: {  	s1 =	sld [smem:$0x3FA9]  }
0x28: {  	s2 =	sld [smem:$0x3FAA]  }
0x29: {  	s4 =	sld [smem:$0x3FAC]  }
0x2a: {  	p0 =	seq.s32 s5, $0x0;
	s5 =	sld [smem:$0x3FAD]  }
0x2b: {  	s6 =	sld [smem:$0x3FAE]  }
0x2c: {  	s7 =	sld [smem:$0x3FAF]  }
0x2d: {  	s3 =	simm.s32 $0x108;
	s8 =	sld [smem:$0x3FB0]  }
0x2e: {  	s3 =	simm.s32 @!p0 $0x1082;
	s9 =	sld [smem:$0x3FB1]  }
0x2f: {  	lr =	sadd.s32 s0, s3;
	s0 =	sld [smem:$0x3FA8]  }
0x30: {  	s3 =	sld [smem:$0x3FAB]  }
0x31: {  	[smem:$0x3FB4] =	sst s10  }
0x32: {  	s10 =	sld [smem:$0x3FB2];
	_ =	sdelay $0x3  }
0x33: {  	p0 =	seq.s32 s10, $0x1;
	s10 =	sld [smem:$0x3FB4];
	_ =	sdelay $0x3  }
0x34: {  	[smem:$0x3FB4] =	sst s10  }
0x35: {  	s10 =	sld [smem:$0x3FB3];
	_ =	sdelay $0x3  }
0x36: {  	p1 =	seq.s32 s10, $0x1;
	s10 =	sld [smem:$0x3FB4];
	_ =	sdelay $0x3  }
0x37: {  	[smem:$0x3FB4] =	sst s10  }
0x38: {  	s10 =	sld [smem:$0x3FB5]  }
0x39: {  	_ = 	snop;
	(pc) =	sbr.ind lr, $3  }
0x3a: {  	_ = 	snop  }
0x3b: {  	_ = 	snop  }
0x3c: {  	p2 =	seq.s32 s10, $0x1;
	s10 =	sld [smem:$0x3FB4]  }
0x3d: {  	_ =	shalt  }
0x3e: {  	_ =	shalt  }
0x3f: {  	_ =	shalt  }
0x40: {  	_ =	shalt  }
0x41: {  	_ =	shalt  }
0x42: {  	_ =	shalt  }
0x43: {  	_ =	shalt  }
0x44: {  	_ =	shalt  }
0x45: {  	_ =	shalt  }
0x46: {  	_ =	shalt  }
0x47: {  	_ =	shalt  }
0x48: {  	_ =	shalt  }
0x49: {  	_ =	shalt  }
0x4a: {  	_ =	shalt  }
0x4b: {  	_ =	shalt  }
0x4c: {  	_ =	shalt  }
0x4d: {  	_ =	shalt  }
0x4e: {  	_ =	shalt  }
0x4f: {  	_ =	shalt  }
0x50: {  	_ =	shalt  }
0x51: {  	_ =	shalt  }
0x52: {  	_ =	shalt  }
0x53: {  	_ =	shalt  }
0x54: {  	_ =	shalt  }
0x55: {  	_ =	shalt  }
0x56: {  	_ =	shalt  }
0x57: {  	_ =	shalt  }
0x58: {  	_ =	shalt  }
0x59: {  	_ =	shalt  }
0x5a: {  	_ =	shalt  }
0x5b: {  	_ =	shalt  }
0x5c: {  	_ =	shalt  }
0x5d: {  	_ =	shalt  }
0x5e: {  	_ =	shalt  }
0x5f: {  	_ =	shalt  }
0x60: {  	_ =	shalt  }
0x61: {  	_ =	shalt  }
0x62: {  	_ =	shalt  }
0x63: {  	_ =	shalt  }
0x64: {  	_ =	shalt  }
0x65: {  	_ =	shalt  }
0x66: {  	_ =	shalt  }
0x67: {  	_ =	shalt  }
0x68: {  	_ =	shalt  }
0x69: {  	_ =	shalt  }
0x6a: {  	_ =	shalt  }
0x6b: {  	_ =	shalt  }
0x6c: {  	_ =	shalt  }
0x6d: {  	_ =	shalt  }
0x6e: {  	_ =	shalt  }
0x6f: {  	_ =	shalt  }
0x70: {  	_ =	shalt  }
0x71: {  	_ =	shalt  }
0x72: {  	_ =	shalt  }
0x73: {  	_ =	shalt  }
0x74: {  	_ =	shalt  }
0x75: {  	_ =	shalt  }
0x76: {  	_ =	shalt  }
0x77: {  	_ =	shalt  }
0x78: {  	_ =	shalt  }
0x79: {  	_ =	shalt  }
0x7a: {  	_ =	shalt  }
0x7b: {  	_ =	shalt  }
0x7c: {  	_ =	shalt  }
0x7d: {  	_ =	shalt  }
0x7e: {  	_ =	shalt  }
0x7f: {  	_ =	shalt  }
0x80: {  	_ =	shalt  }
0x81: {  	_ =	shalt  }
0x82: {  	_ =	shalt  }
0x83: {  	_ =	shalt  }
0x84: {  	_ =	shalt  }
0x85: {  	_ =	shalt  }
0x86: {  	_ =	shalt  }
0x87: {  	_ =	shalt  }
.Lfunc_end0:
.L_simem_size_0:
called_computation.1_lowered:
.L_overlay_start_0:
0x88: {  	s2 =	sld [smem:$0x3FD9]  }
0x89: {  	s3 =	sld [smem:$0x3FFE];
	_ =	sdelay $0x1  }
0x8a: {  	s1 =	srdreg.scid  }
0x8b: {  	s0 =	sand.u32 $0x1, s1  }
0x8c: {  	s17 =	sshll.u32 s0, $0xA;
	s2 =	sadd.s32 s3, s2  }
0x8d: {  	s2 =	sadd.s32 s2, s17  }
0x8e: {  	[smem:$0x3FC0] =	sst s2  }
0x8f: {  	_ = 	snop  }
0x90: {  	s2 =	sld [smem:$0x3FD0];
	(tm) =	ssettm $0x1  }
0x91: {  	s18 =	sld [smem:$0x3FFB];
	_ =	sdelay $0x3  }
0x92: {  	_ =	strace s18  }
0x93: {  	s3 =	sld [smem:$0x3FFC];
	_ =	sdelay $0x3  }
0x94: {  	_ =	strace s3  }
0x95: {  	s3 =	sld [smem:$0x3FFD];
	_ =	sdelay $0x3  }
0x96: {  	_ =	strace s3  }
0x97: {  	_ =	strace $0x8FFFFFFF  }
0x98: {  	s19 =	sld [smem:$0x3FDB];
	_ =	sdelay $0x1  }
0x99: {  	s4 =	simm.s32 $_scs_section_size  }
0x9a: {  	s5 =	simm.s32 $_size__tile_overlayer_lowered;
	s6 =	simm.s32 $_tile_overlayer_lowered  }
0x9b: {  	s22 =	simm.s32 $0x1BFF;
	s21 =	sshll.u32 s6, $0x1;
	s3 =	sadd.s32 s4, s19  }
0x9c: {  	s7 =	simm.s32 $0x0;
	s20 =	sshll.u32 s5, $0x1;
	s5 =	sadd.s32 s21, s3  }
0x9d: {  	[timem:s7], [sflag:s22] =	dma.local [hbm:s5], s20  }
0x9e: {  	_ =	swait.ge [sflag:s22], s20  }
0x9f: {  	s4 =	ssub.s32 $0x0, s20;
	[sflag:s22] =	ssyncset.done $0x0  }
0xa0: {  	[sflag:s22] =	ssyncadd.s32 s4;
	_ =	sdelay $0x1  }
0xa1: {  	s23 =	simm.s32 $0x1B8B  }
0xa2: {  	_ =	swait.ge [sflag:s23], $0x1  }
0xa3: {  	[sflag:s23] =	ssyncset.done $0x0  }
0xa4: {  	s25 =	simm.s32 $0x1B8E;
	s24 =	sld [smem:$0x3FFE];
	[sflag:s23] =	ssyncadd.s32 $0xFFFFFFFF  }
0xa5: {  	s26 =	simm.s32 $execute0_lowered;
	[smem:$0x3FD2] =	sst s25  }
0xa6: {  	s5 =	sshll.u32 s26, $0x1;
	_ =	strace $0x80000049;
	[dreg:$0x1] =	wrdreg $0xFFFFFFFF  }
0xa7: {  	s28 =	simm.s32 $_size_execute0_lowered;
	s3 =	sadd.s32 s3, s5;
	[dreg:$0x0] =	wrdreg $0x0  }
0xa8: {  	s5 =	sshll.u32 s28, $0x1;
	[dreg:$0x2] =	wrdreg s3  }
0xa9: {  	[dreg:$0x3] =	wrdreg s5  }
0xaa: {  	[dreg:$0x4] =	wrdreg $0xC0  }
0xab: {  	_ =	task [dreg:s7], $0x5FFFF  }
0xac: {  	[dreg:$0x1] =	wrdreg $0xFFFFFFFF  }
0xad: {  	[dreg:$0x0] =	wrdreg $0x60  }
0xae: {  	[dreg:$0x2] =	wrdreg s2  }
0xaf: {  	[dreg:$0x3] =	wrdreg s24  }
0xb0: {  	[dreg:$0x4] =	wrdreg $0x9  }
0xb1: {  	_ =	task.clear_ibuf [dreg:s7], $0x5FFFF;
	_ =	strace $0x90000049  }
0xb2: {  	s29 =	simm.s32 $0x9;
	_ =	strace $0x8000004B  }
0xb3: {  	_ =	swait.ge [sflag:s29], $0x1  }
0xb4: {  	[sflag:s29] =	ssyncadd.s32 $0xFFFFFFFF  }
0xb5: {  	_ =	strace $0x9000004B  }
0xb6: {  	_ =	sfence  }
0xb7: {  	s30 =	sld [smem:$0x0];
	_ =	sdelay $0x2  }
0xb8: {  	s31 =	sshll.u32 s1, $0xD;
	s1 =	sshrl.u32 s1, $0x2  }
0xb9: {  	s3 =	sand.u32 $0x4000, s31;
	s1 =	sadd.s32 s1, s30  }
0xba: {  	s0 =	sor.u32 s3, s0;
	s1 =	sshll.u32 s1, $0x11  }
0xbb: {  	s0 =	sor.u32 s1, s0  }
0xbc: {  	s0 =	sadd.s32 $0x8F2B, s0  }
0xbd: {  	[sflag:s0] =	ssyncadd.remote.s32 $0x1  }
0xbe: {  	_ =	sfence.sel $0xFFFF  }
0xbf: {  	[dreg:$0x0] =	wrdreg $0xFFFFFFFF;
	(pc) =	sbr.abs _section_cstart, $3  }
0xc0: {  	[dreg:$0x1] =	wrdreg $0xFFFFFFFF  }
0xc1: {  	_ =	task.clear_ibuf [dreg:s7], $0x2FFFF;
	_ =	strace $0x9FFFFFFF  }
0xc2: {  	(tm) =	ssettm $0x7FFFFFFF  }
0xc3: {  	_ =	shalt  }
tec
execute0_lowered:
.L_overlay_start_1:
0x0: {  	(tag) =	ssettag $0x1  }
0x1: {  	s1 =	srdreg.scid  }
0x2: {  	s0 =	stileid.u32;
	s2 =	rddreg [dreg:$0x0]  }
0x3: {  	s5 =	rddreg [dreg:$0x1];
	s18 =	simm.s32 $0x880;
	s19 =	simm.s32 $0x1080  }
0x4: {  	s20 =	simm.s32 $0x1880;
	s22 =	simm.s32 $0x2080;
	s23 =	simm.s32 $0x2880  }
0x5: {  	s24 =	simm.s32 $0x3080;
	s7 =	simm.s32 $0x3880;
	s8 =	simm.s32 $0x4080  }
0x6: {  	s25 =	simm.s32 $0x4880;
	s26 =	simm.s32 $0x5080;
	s1 =	sand.u32 $0x1, s1  }
0x7: {  	s9 =	simm.s32 $0x80;
	s3 =	sshll.u32 s0, $0x7;
	s4 =	sshll.u32 s1, $0x6  }
0x8: {  	s11 =	simm.s32 $0x6080;
	s4 =	sor.u32 s4, s3;
	s3 =	simm.s32 $0x0  }
0x9: {  	s12 =	simm.s32 $0x6880;
	s13 =	simm.s32 $0x7080;
	[smem:$0x7FF] =	sst s3  }
0xa: {  	s14 =	simm.s32 $0x7880;
	_ =	strace $0x8000004A;
	[dreg:$0x5] =	wrdreg s18  }
0xb: {  	s15 =	simm.s32 $0x8080;
	s16 =	simm.s32 $0x8880;
	[dreg:$0x6] =	wrdreg s19  }
0xc: {  	s28 =	simm.s32 $0xE080;
	s29 =	simm.s32 $0xE880;
	[dreg:$0x7] =	wrdreg s20  }
0xd: {  	s30 =	simm.s32 $0xF080;
	s1 =	ssub.s32 $0x2, s1;
	[dreg:$0x8] =	wrdreg s22  }
0xe: {  	s31 =	simm.s32 $0xF880;
	s21 =	sshrl.u32 s1, $0x1;
	[dreg:$0x9] =	wrdreg s23  }
0xf: {  	s6 =	sshrl.u32 s4, $0x3;
	s4 =	sshll.u32 s4, $0x7;
	[dreg:$0xa] =	wrdreg s24  }
0x10: {  	s1 =	ssub.s32 s1, s21;
	s21 =	simm.s32 $0xB080;
	[dreg:$0xb] =	wrdreg s7  }
0x11: {  	s6 =	sadd.s32 s6, s5;
	s4 =	sadd.s32 s4, s5;
	[dreg:$0xc] =	wrdreg s8  }
0x12: {  	s5 =	sadd.s32 $0x200, s2;
	s7 =	smax.u32 s1, $0x1;
	[dreg:$0xd] =	wrdreg s25  }
0x13: {  	s8 =	simm.s32 $0x2;
	[dreg:$0xe] =	wrdreg s26;
	s18 =	simm.s32 $0x9880  }
0x14: {  	s19 =	simm.s32 $0xA080;
	s20 =	simm.s32 $0xA880;
	s22 =	simm.s32 $0xB880  }
0x15: {  	s23 =	simm.s32 $0xC080;
	s24 =	simm.s32 $0xC880;
	s25 =	simm.s32 $0xD080  }
0x16: {  	v2 =	vlaneseq.u32;
	s26 =	simm.s32 $0xD880;
	s1 =	simm.s32 $0x1;
	s17 =	sadd.s32 $0x1600, s6  }
0x17: {  	vm0 =	vmmov $0xffff;
	v1 =	vshrl.u32 v2, $0x3;
	s4 =	sadd.s32 $0x1800, s4;
	s6 =	sadd.s32 $0x300, s2;
	[dreg:$0x3] =	wrdreg s17  }
0x18: {  	v0 =	vand.u32 $0x7, v2;
	v2 =	vor.u32 $0x8, v2;
	v1 =	vmul.u32 $0x8, v1;
	[dreg:$0x4] =	wrdreg s4;
	s4 =	sadd.s32 $0x100, s2;
	s17 =	simm.s32 $0x9080  }
.LBB2_1:
0x19: {  	s0 =	rddreg [dreg:$0x3]  }
0x1a: {  	[tilespmem:s3], [sflag:$0x2] =	stream.linear.gather [hbm4b:s0+s3], $0x40, $0x38;
	[tilespmem:$0x10080] =	vst v63  }
0x1b: {  	_ =	swait.ge [sflag:s8], $0x40  }
0x1c: {  	[sflag:s8] =	ssyncset.done $0x0  }
0x1d: {  	[sflag:s8] =	ssyncadd.s32 $0xFFFFFFC0  }
0x1e: {  	v3 =	vld [tilespmem:$0x0];
	_ =	sdelay $0x4  }
0x1f: {  	v4 =	vshll.u32 v3, $0x3  }
0x20: {  	v3 =	vand.u32 $0x7, v3;
	v4 =	vand.u32 $0xFFFFFFC0, v4  }
0x21: {  	v3 =	vor.u32 v3, v4  }
0x22: {  	v4 =	vperm.xlane v3, v0;
	_ =	sdelay $0x1  }
0x23: {  	v4 =	vadd.s32 v1, v4;
	_ =	sdelay $0x4  }
0x24: {  	[tilespmem:s9], [sflag:$0x1] =	stream.indirect_vreg.gather [hbm4b:s2+s3], $0x80, v4, vm0, $0xb8;
	[tilespmem:$0x10080] =	vst v63  }
0x25: {  	s0 =	rddreg [dreg:$0x5];
	v3 =	vperm.xlane v3, v2  }
0x26: {  	[tilespmem:s0], [sflag:$0x1] =	stream.indirect_vreg.gather [hbm4b:s4+s3], $0x80, v4, vm0, $0xb8;
	[tilespmem:$0x10080] =	vst v63  }
0x27: {  	s10 =	rddreg [dreg:$0x6];
	v3 =	vadd.s32 v1, v3  }
0x28: {  	[tilespmem:s10], [sflag:$0x1] =	stream.indirect_vreg.gather [hbm4b:s5+s3], $0x80, v4, vm0, $0xb8;
	[tilespmem:$0x10080] =	vst v63  }
0x29: {  	s0 =	rddreg [dreg:$0x7]  }
0x2a: {  	[tilespmem:s0], [sflag:$0x1] =	stream.indirect_vreg.gather [hbm4b:s6+s3], $0x80, v4, vm0, $0xb8;
	[tilespmem:$0x10080] =	vst v63  }
0x2b: {  	s10 =	rddreg [dreg:$0x8]  }
0x2c: {  	[tilespmem:s10], [sflag:$0x1] =	stream.indirect_vreg.gather [hbm4b:s2+s3], $0x80, v3, vm0, $0xb8;
	[tilespmem:$0x10080] =	vst v63  }
0x2d: {  	s0 =	rddreg [dreg:$0x9]  }
0x2e: {  	[tilespmem:s0], [sflag:$0x1] =	stream.indirect_vreg.gather [hbm4b:s4+s3], $0x80, v3, vm0, $0xb8;
	[tilespmem:$0x10080] =	vst v63  }
0x2f: {  	s10 =	rddreg [dreg:$0xa]  }
0x30: {  	[tilespmem:s10], [sflag:$0x1] =	stream.indirect_vreg.gather [hbm4b:s5+s3], $0x80, v3, vm0, $0xb8;
	[tilespmem:$0x10080] =	vst v63  }
0x31: {  	s0 =	rddreg [dreg:$0xb]  }
0x32: {  	[tilespmem:s0], [sflag:$0x1] =	stream.indirect_vreg.gather [hbm4b:s6+s3], $0x80, v3, vm0, $0xb8;
	[tilespmem:$0x10080] =	vst v63  }
0x33: {  	v3 =	vld [tilespmem:$0x10];
	_ =	sdelay $0x4  }
0x34: {  	v61 =	vshll.u32 v3, $0x3  }
0x35: {  	v3 =	vand.u32 $0x7, v3;
	v4 =	vand.u32 $0xFFFFFFC0, v61  }
0x36: {  	v3 =	vor.u32 v3, v4  }
0x37: {  	v4 =	vperm.xlane v3, v0;
	_ =	sdelay $0x1  }
0x38: {  	v4 =	vadd.s32 v1, v4;
	_ =	sdelay $0x3  }
0x39: {  	s0 =	rddreg [dreg:$0xc]  }
0x3a: {  	[tilespmem:s0], [sflag:$0x1] =	stream.indirect_vreg.gather [hbm4b:s2+s3], $0x80, v4, vm0, $0xb8;
	[tilespmem:$0x10080] =	vst v63  }
0x3b: {  	s10 =	rddreg [dreg:$0xd];
	v3 =	vperm.xlane v3, v2  }
0x3c: {  	[tilespmem:s10], [sflag:$0x1] =	stream.indirect_vreg.gather [hbm4b:s4+s3], $0x80, v4, vm0, $0xb8;
	[tilespmem:$0x10080] =	vst v63  }
0x3d: {  	v3 =	vadd.s32 v1, v3;
	s0 =	rddreg [dreg:$0xe]  }
0x3e: {  	[tilespmem:s0], [sflag:$0x1] =	stream.indirect_vreg.gather [hbm4b:s5+s3], $0x80, v4, vm0, $0xb8;
	[tilespmem:$0x10080] =	vst v63  }
0x3f: {  	s10 =	simm.s32 $0x5880  }
0x40: {  	[tilespmem:s10], [sflag:$0x1] =	stream.indirect_vreg.gather [hbm4b:s6+s3], $0x80, v4, vm0, $0xb8;
	[tilespmem:$0x10080] =	vst v63  }
0x41: {  	_ = 	snop  }
0x42: {  	[tilespmem:s11], [sflag:$0x1] =	stream.indirect_vreg.gather [hbm4b:s2+s3], $0x80, v3, vm0, $0xb8;
	[tilespmem:$0x10080] =	vst v63  }
0x43: {  	_ = 	snop  }
0x44: {  	[tilespmem:s12], [sflag:$0x1] =	stream.indirect_vreg.gather [hbm4b:s4+s3], $0x80, v3, vm0, $0xb8;
	[tilespmem:$0x10080] =	vst v63  }
0x45: {  	_ = 	snop  }
0x46: {  	[tilespmem:s13], [sflag:$0x1] =	stream.indirect_vreg.gather [hbm4b:s5+s3], $0x80, v3, vm0, $0xb8;
	[tilespmem:$0x10080] =	vst v63  }
0x47: {  	_ = 	snop  }
0x48: {  	[tilespmem:s14], [sflag:$0x1] =	stream.indirect_vreg.gather [hbm4b:s6+s3], $0x80, v3, vm0, $0xb8;
	[tilespmem:$0x10080] =	vst v63  }
0x49: {  	v3 =	vld [tilespmem:$0x20];
	_ =	sdelay $0x4  }
0x4a: {  	v62 =	vshll.u32 v3, $0x3  }
0x4b: {  	v3 =	vand.u32 $0x7, v3;
	v4 =	vand.u32 $0xFFFFFFC0, v62  }
0x4c: {  	v3 =	vor.u32 v3, v4  }
0x4d: {  	v4 =	vperm.xlane v3, v0;
	_ =	sdelay $0x1  }
0x4e: {  	v4 =	vadd.s32 v1, v4;
	_ =	sdelay $0x4  }
0x4f: {  	[tilespmem:s15], [sflag:$0x1] =	stream.indirect_vreg.gather [hbm4b:s2+s3], $0x80, v4, vm0, $0xb8;
	[tilespmem:$0x10080] =	vst v63  }
0x50: {  	v3 =	vperm.xlane v3, v2  }
0x51: {  	[tilespmem:s16], [sflag:$0x1] =	stream.indirect_vreg.gather [hbm4b:s4+s3], $0x80, v4, vm0, $0xb8;
	[tilespmem:$0x10080] =	vst v63  }
0x52: {  	v3 =	vadd.s32 v1, v3  }
0x53: {  	[tilespmem:s17], [sflag:$0x1] =	stream.indirect_vreg.gather [hbm4b:s5+s3], $0x80, v4, vm0, $0xb8;
	[tilespmem:$0x10080] =	vst v63  }
0x54: {  	_ = 	snop  }
0x55: {  	[tilespmem:s18], [sflag:$0x1] =	stream.indirect_vreg.gather [hbm4b:s6+s3], $0x80, v4, vm0, $0xb8;
	[tilespmem:$0x10080] =	vst v63  }
0x56: {  	_ = 	snop  }
0x57: {  	[tilespmem:s19], [sflag:$0x1] =	stream.indirect_vreg.gather [hbm4b:s2+s3], $0x80, v3, vm0, $0xb8;
	[tilespmem:$0x10080] =	vst v63  }
0x58: {  	_ = 	snop  }
0x59: {  	[tilespmem:s20], [sflag:$0x1] =	stream.indirect_vreg.gather [hbm4b:s4+s3], $0x80, v3, vm0, $0xb8;
	[tilespmem:$0x10080] =	vst v63  }
0x5a: {  	_ = 	snop  }
0x5b: {  	[tilespmem:s21], [sflag:$0x1] =	stream.indirect_vreg.gather [hbm4b:s5+s3], $0x80, v3, vm0, $0xb8;
	[tilespmem:$0x10080] =	vst v63  }
0x5c: {  	_ = 	snop  }
0x5d: {  	[tilespmem:s22], [sflag:$0x1] =	stream.indirect_vreg.gather [hbm4b:s6+s3], $0x80, v3, vm0, $0xb8;
	[tilespmem:$0x10080] =	vst v63  }
0x5e: {  	v3 =	vld [tilespmem:$0x30];
	_ =	sdelay $0x4  }
0x5f: {  	v63 =	vshll.u32 v3, $0x3  }
0x60: {  	v3 =	vand.u32 $0x7, v3;
	v4 =	vand.u32 $0xFFFFFFC0, v63  }
0x61: {  	v3 =	vor.u32 v3, v4  }
0x62: {  	v4 =	vperm.xlane v3, v0;
	_ =	sdelay $0x1  }
0x63: {  	v4 =	vadd.s32 v1, v4;
	_ =	sdelay $0x4  }
0x64: {  	[tilespmem:s23], [sflag:$0x1] =	stream.indirect_vreg.gather [hbm4b:s2+s3], $0x80, v4, vm0, $0xb8;
	[tilespmem:$0x10080] =	vst v63  }
0x65: {  	v3 =	vperm.xlane v3, v2  }
0x66: {  	[tilespmem:s24], [sflag:$0x1] =	stream.indirect_vreg.gather [hbm4b:s4+s3], $0x80, v4, vm0, $0xb8;
	[tilespmem:$0x10080] =	vst v63  }
0x67: {  	v3 =	vadd.s32 v1, v3  }
0x68: {  	[tilespmem:s25], [sflag:$0x1] =	stream.indirect_vreg.gather [hbm4b:s5+s3], $0x80, v4, vm0, $0xb8;
	[tilespmem:$0x10080] =	vst v63  }
0x69: {  	_ = 	snop  }
0x6a: {  	[tilespmem:s26], [sflag:$0x1] =	stream.indirect_vreg.gather [hbm4b:s6+s3], $0x80, v4, vm0, $0xb8;
	[tilespmem:$0x10080] =	vst v63  }
0x6b: {  	_ = 	snop  }
0x6c: {  	[tilespmem:s28], [sflag:$0x1] =	stream.indirect_vreg.gather [hbm4b:s2+s3], $0x80, v3, vm0, $0xb8;
	[tilespmem:$0x10080] =	vst v63  }
0x6d: {  	_ = 	snop  }
0x6e: {  	[tilespmem:s29], [sflag:$0x1] =	stream.indirect_vreg.gather [hbm4b:s4+s3], $0x80, v3, vm0, $0xb8;
	[tilespmem:$0x10080] =	vst v63  }
0x6f: {  	_ = 	snop  }
0x70: {  	[tilespmem:s30], [sflag:$0x1] =	stream.indirect_vreg.gather [hbm4b:s5+s3], $0x80, v3, vm0, $0xb8;
	[tilespmem:$0x10080] =	vst v63  }
0x71: {  	_ = 	snop  }
0x72: {  	[tilespmem:s31], [sflag:$0x1] =	stream.indirect_vreg.gather [hbm4b:s6+s3], $0x80, v3, vm0, $0xb8;
	[tilespmem:$0x10080] =	vst v63  }
0x73: {  	_ =	swait.ge [sflag:s1], $0x10000  }
0x74: {  	p0 =	sne.s32 s7, $0x1;
	[sflag:s1] =	ssyncset.done $0x0  }
.Ltmp0:
0x75: {  	s10 =	rddreg [dreg:$0x4];
	[sflag:s1] =	ssyncadd.s32 $0xFFFF0000;
	(pc) =	sbr.rel @p0 .LBB2_1-.Ltmp0, $4  }
0x76: {  	[hbm4b:s10+s3] =	stream.linear.scatter [tilespmem:s9], [sflag:$0x2], $0x10000, $0x38;
	[tilespmem:$0x10080] =	vst v63  }
0x77: {  	_ =	swait.ge [sflag:s8], $0x10000  }
0x78: {  	[sflag:s8] =	ssyncset.done $0x0  }
0x79: {  	s7 =	sadd.s32 $0xFFFFFFFF, s7;
	[sflag:s8] =	ssyncadd.s32 $0xFFFF0000  }
0x7a: {  	_ =	sfence.sel $0x180000  }
0x7b: {  	[bflag:$0x0] =	sbarrier.arrive $0xFFFF  }
0x7c: {  	_ =	strace $0x9000004A  }
0x7d: {  	s0 =	stileid.u32;
	[bflag:$0x2] =	sbarrier.arrive $0xFFFF  }
0x7e: {  	p0 =	sne.s32 s0, $0x0;
	s0 =	rddreg [dreg:$0x2]  }
0x7f: {  	s0 =	sadd.s32 @!p0 $0x100000, s0  }
0x80: {  	[sflag:s0] =	ssyncadd.tile.s32 @!p0 $0x1;
	_ =	shalt  }
.Lfunc_end2:
_tile_overlayer_lowered:
.L_overlay_start_2:
0x81: {  	(tag) =	ssettag $0x2  }
0x82: {  	s0 =	rddreg [dreg:$0x0];
	s2 =	stileid.u32  }
0x83: {  	s1 =	rddreg [dreg:$0x1];
	p0 =	sne.s32 s2, $0x0  }
0x84: {  	s3 =	rddreg [dreg:$0x2];
	[bflag:$0x3] =	sbarrier.arrive $0xFFFF;
	s2 =	simm.s32 @!p0 $0x1C02  }
0x85: {  	[timem:s3], [sflag:s2] =	dma.local @!p0 [hbm:s0], s1  }
0x86: {  	s0 =	simm.s32 @!p0 $0x2  }
0x87: {  	_ =	swait.ge @!p0 [sflag:s0], s1  }
0x88: {  	s1 =	ssub.s32 @!p0 $0x0, s1;
	[sflag:s0] =	ssyncset.done @!p0 $0x0  }
0x89: {  	[sflag:s0] =	ssyncadd.s32 @!p0 s1  }
0x8a: {  	[bflag:$0x3] =	sbarrier.arrive $0xFFFF  }
0x8b: {  	_ =	shalt  }

// kernel: kernel.7.cloned.1.call-start
scs
__scs_entry_jumppad:
0x0: {  	(pc) =	sbr.rel $0x88, $3  }
0x1: {  	(tag) =	ssettag $0x0;
	lr =	simm.s32 $0x1  }
0x2: {  	[smem:$0x3F99] =	sst lr;
	_ =	strace $0xD0000000  }
0x3: {  	_ = 	snop  }
0x4: {  	_ = 	snop  }
0x5: {  	_ = 	snop  }
0x6: {  	_ = 	snop  }
0x7: {  	_ = 	snop  }
__scs_overlays_trampoline_lowered:
0x8: {  	[smem:$0x3FA8] =	sst s0  }
0x9: {  	[smem:$0x3FA9] =	sst s1  }
0xa: {  	[smem:$0x3FAA] =	sst s2  }
0xb: {  	[smem:$0x3FAB] =	sst s3  }
0xc: {  	[smem:$0x3FAC] =	sst s4  }
0xd: {  	[smem:$0x3FAD] =	sst s5  }
0xe: {  	[smem:$0x3FAE] =	sst s6  }
0xf: {  	[smem:$0x3FAF] =	sst s7  }
0x10: {  	[smem:$0x3FB0] =	sst s8  }
0x11: {  	[smem:$0x3FB1] =	sst s9;
	s0 =	simm.s32 @!p0 $0x0  }
0x12: {  	s1 =	sld [smem:$0x3F97];
	s0 =	simm.s32 @p0 $0x1  }
0x13: {  	[smem:$0x3FB2] =	sst s0;
	s0 =	simm.s32 @!p1 $0x0  }
0x14: {  	s2 =	sld [smem:$0x3F96];
	s0 =	simm.s32 @p1 $0x1  }
0x15: {  	[smem:$0x3FB3] =	sst s0;
	s0 =	simm.s32 @!p2 $0x0  }
0x16: {  	s3 =	sld [smem:$0x3FDB];
	s0 =	simm.s32 @p2 $0x1  }
0x17: {  	s4 =	simm.s32 $0x1BF5;
	[smem:$0x3FB5] =	sst s0  }
0x18: {  	s0 =	sld [smem:$0x3F98];
	_ =	swait.ge [sflag:s4], $0x0  }
0x19: {  	s7 =	sld [smem:$0x3F99]  }
0x1a: {  	s8 =	sadd.s32 $0xFFFFE003, lr  }
0x1b: {  	s9 =	sadd.s32 $0xFFFFFEF7, lr;
	s5 =	simm.s32 $0xFFFFFFFF;
	p2 =	slt.u32 s8, $0xFFFFF086  }
0x1c: {  	p1 =	slt.u32 s9, $0xF7A;
	s5 =	simm.s32 @!p2 $0x0  }
0x1d: {  	s5 =	simm.s32 @p1 $0x1;
	p0 =	seq.s32 s7, s2  }
0x1e: {  	s7 =	smul.u32 @!p0 $0xF7A, s2;
	p2 =	seq.s32 @!p0 s5, $0x0  }
0x1f: {  	s9 =	smul.u32 $0xF7A, s1;
	s8 =	simm.s32 @!p0 $0x1BF5;
	p2 =	por !p2, p0  }
0x20: {  	[sflag:s8] =	ssyncset.s32 @!p0 $0xFFFFF086;
	s6 =	sadd.s32 @!p0 s3, s7;
	s7 =	simm.s32 @!p0 $0x108  }
0x21: {  	s3 =	sadd.s32 s3, s9;
	s6 =	sadd.s32 @!p0 $0x88, s6;
	s7 =	simm.s32 @p2 $0x1082  }
0x22: {  	[simem:s7], [sflag:s8] =	dma.local @!p0 [hbm:s6], $0xF7A  }
0x23: {  	s9 =	sor.u32 $0xD0000000, s2;
	s6 =	simm.s32 $0x108;
	_ =	swait.ge @!p0 [sflag:s8], $0x0  }
0x24: {  	s3 =	sadd.s32 $0x88, s3;
	s6 =	simm.s32 @!p1 $0x1082;
	[sflag:s4] =	ssyncset.s32 $0xFFFFF086  }
0x25: {  	[simem:s6], [sflag:s4] =	dma.local [hbm:s3], $0xF7A  }
0x26: {  	[smem:$0x3F99] =	sst s1;
	(tag) =	ssettag s2;
	_ =	strace s9  }
0x27: {  	s1 =	sld [smem:$0x3FA9]  }
0x28: {  	s2 =	sld [smem:$0x3FAA]  }
0x29: {  	s4 =	sld [smem:$0x3FAC]  }
0x2a: {  	p0 =	seq.s32 s5, $0x0;
	s5 =	sld [smem:$0x3FAD]  }
0x2b: {  	s6 =	sld [smem:$0x3FAE]  }
0x2c: {  	s7 =	sld [smem:$0x3FAF]  }
0x2d: {  	s3 =	simm.s32 $0x108;
	s8 =	sld [smem:$0x3FB0]  }
0x2e: {  	s3 =	simm.s32 @!p0 $0x1082;
	s9 =	sld [smem:$0x3FB1]  }
0x2f: {  	lr =	sadd.s32 s0, s3;
	s0 =	sld [smem:$0x3FA8]  }
0x30: {  	s3 =	sld [smem:$0x3FAB]  }
0x31: {  	[smem:$0x3FB4] =	sst s10  }
0x32: {  	s10 =	sld [smem:$0x3FB2];
	_ =	sdelay $0x3  }
0x33: {  	p0 =	seq.s32 s10, $0x1;
	s10 =	sld [smem:$0x3FB4];
	_ =	sdelay $0x3  }
0x34: {  	[smem:$0x3FB4] =	sst s10  }
0x35: {  	s10 =	sld [smem:$0x3FB3];
	_ =	sdelay $0x3  }
0x36: {  	p1 =	seq.s32 s10, $0x1;
	s10 =	sld [smem:$0x3FB4];
	_ =	sdelay $0x3  }
0x37: {  	[smem:$0x3FB4] =	sst s10  }
0x38: {  	s10 =	sld [smem:$0x3FB5]  }
0x39: {  	_ = 	snop;
	(pc) =	sbr.ind lr, $3  }
0x3a: {  	_ = 	snop  }
0x3b: {  	_ = 	snop  }
0x3c: {  	p2 =	seq.s32 s10, $0x1;
	s10 =	sld [smem:$0x3FB4]  }
0x3d: {  	_ =	shalt  }
0x3e: {  	_ =	shalt  }
0x3f: {  	_ =	shalt  }
0x40: {  	_ =	shalt  }
0x41: {  	_ =	shalt  }
0x42: {  	_ =	shalt  }
0x43: {  	_ =	shalt  }
0x44: {  	_ =	shalt  }
0x45: {  	_ =	shalt  }
0x46: {  	_ =	shalt  }
0x47: {  	_ =	shalt  }
0x48: {  	_ =	shalt  }
0x49: {  	_ =	shalt  }
0x4a: {  	_ =	shalt  }
0x4b: {  	_ =	shalt  }
0x4c: {  	_ =	shalt  }
0x4d: {  	_ =	shalt  }
0x4e: {  	_ =	shalt  }
0x4f: {  	_ =	shalt  }
0x50: {  	_ =	shalt  }
0x51: {  	_ =	shalt  }
0x52: {  	_ =	shalt  }
0x53: {  	_ =	shalt  }
0x54: {  	_ =	shalt  }
0x55: {  	_ =	shalt  }
0x56: {  	_ =	shalt  }
0x57: {  	_ =	shalt  }
0x58: {  	_ =	shalt  }
0x59: {  	_ =	shalt  }
0x5a: {  	_ =	shalt  }
0x5b: {  	_ =	shalt  }
0x5c: {  	_ =	shalt  }
0x5d: {  	_ =	shalt  }
0x5e: {  	_ =	shalt  }
0x5f: {  	_ =	shalt  }
0x60: {  	_ =	shalt  }
0x61: {  	_ =	shalt  }
0x62: {  	_ =	shalt  }
0x63: {  	_ =	shalt  }
0x64: {  	_ =	shalt  }
0x65: {  	_ =	shalt  }
0x66: {  	_ =	shalt  }
0x67: {  	_ =	shalt  }
0x68: {  	_ =	shalt  }
0x69: {  	_ =	shalt  }
0x6a: {  	_ =	shalt  }
0x6b: {  	_ =	shalt  }
0x6c: {  	_ =	shalt  }
0x6d: {  	_ =	shalt  }
0x6e: {  	_ =	shalt  }
0x6f: {  	_ =	shalt  }
0x70: {  	_ =	shalt  }
0x71: {  	_ =	shalt  }
0x72: {  	_ =	shalt  }
0x73: {  	_ =	shalt  }
0x74: {  	_ =	shalt  }
0x75: {  	_ =	shalt  }
0x76: {  	_ =	shalt  }
0x77: {  	_ =	shalt  }
0x78: {  	_ =	shalt  }
0x79: {  	_ =	shalt  }
0x7a: {  	_ =	shalt  }
0x7b: {  	_ =	shalt  }
0x7c: {  	_ =	shalt  }
0x7d: {  	_ =	shalt  }
0x7e: {  	_ =	shalt  }
0x7f: {  	_ =	shalt  }
0x80: {  	_ =	shalt  }
0x81: {  	_ =	shalt  }
0x82: {  	_ =	shalt  }
0x83: {  	_ =	shalt  }
0x84: {  	_ =	shalt  }
0x85: {  	_ =	shalt  }
0x86: {  	_ =	shalt  }
0x87: {  	_ =	shalt  }
.Lfunc_end0:
.L_simem_size_0:
called_computation_lowered:
.L_overlay_start_0:
0x88: {  	s2 =	sld [smem:$0x3FD9]  }
0x89: {  	s3 =	sld [smem:$0x3FFE];
	_ =	sdelay $0x1  }
0x8a: {  	s1 =	srdreg.scid  }
0x8b: {  	s0 =	sand.u32 $0x1, s1  }
0x8c: {  	s17 =	sshll.u32 s0, $0xA;
	s2 =	sadd.s32 s3, s2  }
0x8d: {  	s2 =	sadd.s32 s2, s17  }
0x8e: {  	[smem:$0x3FC0] =	sst s2  }
0x8f: {  	_ = 	snop  }
0x90: {  	s2 =	sld [smem:$0x3FC9]  }
0x91: {  	s18 =	sld [smem:$0x3FD0];
	(tm) =	ssettm $0x1  }
0x92: {  	s4 =	sld [smem:$0x3FFB];
	_ =	sdelay $0x3  }
0x93: {  	_ =	strace s4  }
0x94: {  	s4 =	sld [smem:$0x3FFC];
	_ =	sdelay $0x3  }
0x95: {  	_ =	strace s4  }
0x96: {  	s4 =	sld [smem:$0x3FFD];
	_ =	sdelay $0x3  }
0x97: {  	_ =	strace s4  }
0x98: {  	_ =	strace $0x8FFFFFFF  }
0x99: {  	s19 =	sld [smem:$0x3FDB];
	_ =	sdelay $0x1  }
0x9a: {  	s5 =	simm.s32 $_scs_section_size  }
0x9b: {  	s6 =	simm.s32 $_size__tile_overlayer_lowered;
	s7 =	simm.s32 $_tile_overlayer_lowered  }
0x9c: {  	s22 =	simm.s32 $0x1BFF;
	s21 =	sshll.u32 s7, $0x1;
	s4 =	sadd.s32 s5, s19  }
0x9d: {  	s8 =	simm.s32 $0x0;
	s20 =	sshll.u32 s6, $0x1;
	s6 =	sadd.s32 s21, s4  }
0x9e: {  	[timem:s8], [sflag:s22] =	dma.local [hbm:s6], s20  }
0x9f: {  	_ =	swait.ge [sflag:s22], s20  }
0xa0: {  	s5 =	ssub.s32 $0x0, s20;
	[sflag:s22] =	ssyncset.done $0x0  }
0xa1: {  	[sflag:s22] =	ssyncadd.s32 s5;
	_ =	sdelay $0x1  }
0xa2: {  	s23 =	simm.s32 $0x1B8B  }
0xa3: {  	_ =	swait.ge [sflag:s23], $0x1  }
0xa4: {  	[sflag:s23] =	ssyncset.done $0x0  }
0xa5: {  	s25 =	simm.s32 $0x1B8E;
	s24 =	sld [smem:$0x3FFE];
	[sflag:s23] =	ssyncadd.s32 $0xFFFFFFFF  }
0xa6: {  	s26 =	simm.s32 $execute0_lowered;
	[smem:$0x3FD2] =	sst s25  }
0xa7: {  	s6 =	sshll.u32 s26, $0x1;
	_ =	strace $0x80000046;
	[dreg:$0x1] =	wrdreg $0xFFFFFFFF  }
0xa8: {  	s28 =	simm.s32 $_size_execute0_lowered;
	s4 =	sadd.s32 s4, s6;
	[dreg:$0x0] =	wrdreg $0x0  }
0xa9: {  	s6 =	sshll.u32 s28, $0x1;
	[dreg:$0x2] =	wrdreg s4  }
0xaa: {  	[dreg:$0x3] =	wrdreg s6  }
0xab: {  	[dreg:$0x4] =	wrdreg $0xC0  }
0xac: {  	_ =	task [dreg:s8], $0x5FFFF  }
0xad: {  	[dreg:$0x1] =	wrdreg $0xFFFFFFFF  }
0xae: {  	[dreg:$0x0] =	wrdreg $0x60  }
0xaf: {  	[dreg:$0x2] =	wrdreg s2  }
0xb0: {  	[dreg:$0x3] =	wrdreg s24  }
0xb1: {  	[dreg:$0x4] =	wrdreg s18  }
0xb2: {  	[dreg:$0x5] =	wrdreg $0x9  }
0xb3: {  	_ =	task.clear_ibuf [dreg:s8], $0x6FFFF;
	_ =	strace $0x90000046  }
0xb4: {  	s29 =	simm.s32 $0x9;
	_ =	strace $0x80000048  }
0xb5: {  	_ =	swait.ge [sflag:s29], $0x1  }
0xb6: {  	[sflag:s29] =	ssyncadd.s32 $0xFFFFFFFF  }
0xb7: {  	_ =	strace $0x90000048  }
0xb8: {  	_ =	sfence  }
0xb9: {  	s30 =	sld [smem:$0x0];
	_ =	sdelay $0x2  }
0xba: {  	s31 =	sshll.u32 s1, $0xD;
	s1 =	sshrl.u32 s1, $0x2  }
0xbb: {  	s3 =	sand.u32 $0x4000, s31;
	s1 =	sadd.s32 s1, s30  }
0xbc: {  	s0 =	sor.u32 s3, s0;
	s1 =	sshll.u32 s1, $0x11  }
0xbd: {  	s0 =	sor.u32 s1, s0  }
0xbe: {  	s0 =	sadd.s32 $0x8F2B, s0  }
0xbf: {  	[sflag:s0] =	ssyncadd.remote.s32 $0x1  }
0xc0: {  	_ =	sfence.sel $0xFFFF  }
0xc1: {  	[dreg:$0x0] =	wrdreg $0xFFFFFFFF;
	(pc) =	sbr.abs _section_cstart, $3  }
0xc2: {  	[dreg:$0x1] =	wrdreg $0xFFFFFFFF  }
0xc3: {  	_ =	task.clear_ibuf [dreg:s8], $0x2FFFF;
	_ =	strace $0x9FFFFFFF  }
0xc4: {  	(tm) =	ssettm $0x7FFFFFFF  }
0xc5: {  	_ =	shalt  }
tec
execute0_lowered:
.L_overlay_start_1:
0x0: {  	(tag) =	ssettag $0x1  }
0x1: {  	s1 =	rddreg [dreg:$0x0]  }
0x2: {  	s2 =	srdreg.scid;
	s4 =	rddreg [dreg:$0x1]  }
0x3: {  	s3 =	simm.s32 $0x0;
	s5 =	sand.u32 $0x1, s2;
	s2 =	rddreg [dreg:$0x2]  }
0x4: {  	s11 =	simm.s32 $0x10080;
	[smem:$0x7FF] =	sst s3  }
0x5: {  	s12 =	simm.s32 $0x880;
	_ =	strace $0x80000047;
	[dreg:$0x8] =	wrdreg s11  }
0x6: {  	s13 =	simm.s32 $0x1080;
	[dreg:$0x9] =	wrdreg s12  }
0x7: {  	s14 =	simm.s32 $0x1880;
	[dreg:$0xa] =	wrdreg s13  }
0x8: {  	s15 =	simm.s32 $0x2080;
	[dreg:$0xb] =	wrdreg s14  }
0x9: {  	s16 =	simm.s32 $0x2880;
	[dreg:$0xc] =	wrdreg s15  }
0xa: {  	s18 =	simm.s32 $0x3080;
	[dreg:$0xd] =	wrdreg s16  }
0xb: {  	s0 =	stileid.u32;
	s19 =	simm.s32 $0x3880;
	[dreg:$0xe] =	wrdreg s18  }
0xc: {  	s21 =	simm.s32 $0x4080;
	s22 =	simm.s32 $0x4880;
	[dreg:$0xf] =	wrdreg s19  }
0xd: {  	s23 =	simm.s32 $0x5080;
	s24 =	simm.s32 $0x5880;
	[dreg:$0x10] =	wrdreg s21  }
0xe: {  	s25 =	simm.s32 $0x6080;
	s8 =	simm.s32 $0x3;
	[dreg:$0x11] =	wrdreg s22  }
0xf: {  	s26 =	simm.s32 $0x6880;
	s28 =	simm.s32 $0xF080;
	[dreg:$0x12] =	wrdreg s23  }
0x10: {  	s29 =	simm.s32 $0xF880;
	s30 =	simm.s32 $0x40;
	[dreg:$0x13] =	wrdreg s24  }
0x11: {  	s31 =	simm.s32 $0x1;
	s6 =	sshll.u32 s0, $0x7;
	[dreg:$0x14] =	wrdreg s25  }
0x12: {  	s7 =	sshll.u32 s5, $0x6;
	s17 =	ssub.s32 $0x2, s5;
	[dreg:$0x15] =	wrdreg s26  }
0x13: {  	s12 =	simm.s32 $0x7880;
	s13 =	simm.s32 $0x8080;
	s14 =	simm.s32 $0x8880  }
0x14: {  	s15 =	simm.s32 $0x9080;
	s16 =	simm.s32 $0x9880;
	s18 =	simm.s32 $0xA880  }
0x15: {  	s19 =	simm.s32 $0xB080;
	s21 =	simm.s32 $0xC080;
	s22 =	simm.s32 $0xC880  }
0x16: {  	s23 =	simm.s32 $0xD080;
	s24 =	simm.s32 $0xD880;
	s25 =	simm.s32 $0xE080  }
0x17: {  	s26 =	simm.s32 $0xE880;
	s6 =	sor.u32 s7, s6;
	s5 =	sshrl.u32 s17, $0x1  }
0x18: {  	s7 =	sshrl.u32 s6, $0x3;
	s6 =	sshll.u32 s6, $0x7;
	s20 =	ssub.s32 s17, s5  }
0x19: {  	s5 =	sadd.s32 $0x200, s2;
	s17 =	simm.s32 $0xA080;
	s7 =	sadd.s32 s7, s4  }
0x1a: {  	s4 =	sadd.s32 $0x1A00, s4;
	s1 =	sadd.s32 s1, s6;
	s6 =	sadd.s32 $0x300, s2  }
0x1b: {  	v6 =	vlaneseq.u32;
	[dreg:$0x4] =	wrdreg s4;
	s9 =	sadd.s32 $0x1600, s7;
	s10 =	sadd.s32 $0x1800, s7  }
0x1c: {  	vm0 =	vmmov $0xffff;
	v0 =	vmul.u32 $0x80, v6;
	v5 =	vshrl.u32 v6, $0x3;
	[dreg:$0x7] =	wrdreg s1;
	s4 =	sadd.s32 $0x100, s2;
	s7 =	smax.u32 s20, $0x1  }
0x1d: {  	v4 =	vand.u32 $0x7, v6;
	v6 =	vor.u32 $0x8, v6;
	v5 =	vmul.u32 $0x8, v5;
	s20 =	simm.s32 $0xB880;
	s1 =	simm.s32 $0x2;
	[dreg:$0x5] =	wrdreg s9  }
0x1e: {  	v1 =	vor.u32 $0x800, v0;
	v2 =	vor.u32 $0x1000, v0;
	v3 =	vor.u32 $0x1800, v0;
	[dreg:$0x6] =	wrdreg s10;
	s9 =	simm.s32 $0x80;
	s10 =	simm.s32 $0x10100  }
.LBB2_1:
0x1f: {  	s0 =	rddreg [dreg:$0x5]  }
0x20: {  	[tilespmem:s3], [sflag:$0x3] =	stream.linear.gather [hbm4b:s0+s3], $0x40, $0x38;
	[tilespmem:$0x12100] =	vst v63  }
0x21: {  	_ =	swait.ge [sflag:s8], $0x40  }
0x22: {  	s0 =	rddreg [dreg:$0x6];
	[sflag:s8] =	ssyncset.done $0x0  }
0x23: {  	s11 =	rddreg [dreg:$0x8];
	[sflag:s8] =	ssyncadd.s32 $0xFFFFFFC0  }
0x24: {  	[tilespmem:s11], [sflag:$0x3] =	stream.linear.gather [hbm4b:s0+s3], $0x40, $0x38;
	[tilespmem:$0x12100] =	vst v63  }
0x25: {  	_ =	swait.ge [sflag:s8], $0x40  }
0x26: {  	[sflag:s8] =	ssyncset.done $0x0  }
0x27: {  	s11 =	rddreg [dreg:$0x7];
	[sflag:s8] =	ssyncadd.s32 $0xFFFFFFC0  }
0x28: {  	[tilespmem:s9], [sflag:$0x3] =	stream.linear.gather [hbm4b:s11+s3], $0x10000, $0x38;
	[tilespmem:$0x12100] =	vst v63  }
0x29: {  	_ =	swait.ge [sflag:s8], $0x10000  }
0x2a: {  	[sflag:s8] =	ssyncset.done $0x0  }
0x2b: {  	[sflag:s8] =	ssyncadd.s32 $0xFFFF0000  }
0x2c: {  	v7 =	vld [tilespmem:$0x10080];
	_ =	sdelay $0x4  }
0x2d: {  	[tilespmem:v0+s10+$0x0] =	vst.idx.msk $0xffff, v7  }
0x2e: {  	v7 =	vld [tilespmem:$0x10090];
	_ =	sdelay $0x4  }
0x2f: {  	[tilespmem:v1+s10+$0x0] =	vst.idx.msk $0xffff, v7  }
0x30: {  	v7 =	vld [tilespmem:$0x100A0];
	_ =	sdelay $0x4  }
0x31: {  	[tilespmem:v2+s10+$0x0] =	vst.idx.msk $0xffff, v7  }
0x32: {  	v7 =	vld [tilespmem:$0x100B0];
	_ =	sdelay $0x4  }
0x33: {  	[tilespmem:v3+s10+$0x0] =	vst.idx.msk $0xffff, v7  }
0x34: {  	v7 =	vld [tilespmem:$0x0];
	_ =	sdelay $0x4  }
0x35: {  	v8 =	vshll.u32 v7, $0x3  }
0x36: {  	v7 =	vand.u32 $0x7, v7;
	v8 =	vand.u32 $0xFFFFFFC0, v8  }
0x37: {  	v7 =	vor.u32 v7, v8  }
0x38: {  	v8 =	vperm.xlane v7, v4;
	_ =	sdelay $0x1  }
0x39: {  	v8 =	vadd.s32 v5, v8;
	_ =	sdelay $0x4  }
0x3a: {  	[hbm4b:s2+s3] =	stream.indirect_vreg.scatter [tilespmem:s9], [sflag:$0x1], $0x80, v8, vm0, $0xb8;
	[tilespmem:$0x12100] =	vst v63  }
0x3b: {  	s0 =	rddreg [dreg:$0x9];
	v7 =	vperm.xlane v7, v6  }
0x3c: {  	[hbm4b:s4+s3] =	stream.indirect_vreg.scatter [tilespmem:s0], [sflag:$0x1], $0x80, v8, vm0, $0xb8;
	[tilespmem:$0x12100] =	vst v63  }
0x3d: {  	s11 =	rddreg [dreg:$0xa];
	v7 =	vadd.s32 v5, v7  }
0x3e: {  	[hbm4b:s5+s3] =	stream.indirect_vreg.scatter [tilespmem:s11], [sflag:$0x1], $0x80, v8, vm0, $0xb8;
	[tilespmem:$0x12100] =	vst v63  }
0x3f: {  	s0 =	rddreg [dreg:$0xb]  }
0x40: {  	[hbm4b:s6+s3] =	stream.indirect_vreg.scatter [tilespmem:s0], [sflag:$0x1], $0x80, v8, vm0, $0xb8;
	[tilespmem:$0x12100] =	vst v63  }
0x41: {  	s11 =	rddreg [dreg:$0xc]  }
0x42: {  	[hbm4b:s2+s3] =	stream.indirect_vreg.scatter [tilespmem:s11], [sflag:$0x1], $0x80, v7, vm0, $0xb8;
	[tilespmem:$0x12100] =	vst v63  }
0x43: {  	s0 =	rddreg [dreg:$0xd]  }
0x44: {  	[hbm4b:s4+s3] =	stream.indirect_vreg.scatter [tilespmem:s0], [sflag:$0x1], $0x80, v7, vm0, $0xb8;
	[tilespmem:$0x12100] =	vst v63  }
0x45: {  	s11 =	rddreg [dreg:$0xe]  }
0x46: {  	[hbm4b:s5+s3] =	stream.indirect_vreg.scatter [tilespmem:s11], [sflag:$0x1], $0x80, v7, vm0, $0xb8;
	[tilespmem:$0x12100] =	vst v63  }
0x47: {  	s0 =	rddreg [dreg:$0xf]  }
0x48: {  	[hbm4b:s6+s3] =	stream.indirect_vreg.scatter [tilespmem:s0], [sflag:$0x1], $0x80, v7, vm0, $0xb8;
	[tilespmem:$0x12100] =	vst v63  }
0x49: {  	v7 =	vld [tilespmem:$0x10];
	_ =	sdelay $0x4  }
0x4a: {  	v8 =	vshll.u32 v7, $0x3  }
0x4b: {  	v7 =	vand.u32 $0x7, v7;
	v8 =	vand.u32 $0xFFFFFFC0, v8  }
0x4c: {  	v7 =	vor.u32 v7, v8  }
0x4d: {  	v8 =	vperm.xlane v7, v4;
	_ =	sdelay $0x1  }
0x4e: {  	v8 =	vadd.s32 v5, v8;
	_ =	sdelay $0x3  }
0x4f: {  	s0 =	rddreg [dreg:$0x10]  }
0x50: {  	[hbm4b:s2+s3] =	stream.indirect_vreg.scatter [tilespmem:s0], [sflag:$0x1], $0x80, v8, vm0, $0xb8;
	[tilespmem:$0x12100] =	vst v63  }
0x51: {  	s11 =	rddreg [dreg:$0x11];
	v7 =	vperm.xlane v7, v6  }
0x52: {  	[hbm4b:s4+s3] =	stream.indirect_vreg.scatter [tilespmem:s11], [sflag:$0x1], $0x80, v8, vm0, $0xb8;
	[tilespmem:$0x12100] =	vst v63  }
0x53: {  	v7 =	vadd.s32 v5, v7;
	s0 =	rddreg [dreg:$0x12]  }
0x54: {  	[hbm4b:s5+s3] =	stream.indirect_vreg.scatter [tilespmem:s0], [sflag:$0x1], $0x80, v8, vm0, $0xb8;
	[tilespmem:$0x12100] =	vst v63  }
0x55: {  	s11 =	rddreg [dreg:$0x13]  }
0x56: {  	[hbm4b:s6+s3] =	stream.indirect_vreg.scatter [tilespmem:s11], [sflag:$0x1], $0x80, v8, vm0, $0xb8;
	[tilespmem:$0x12100] =	vst v63  }
0x57: {  	s0 =	rddreg [dreg:$0x14]  }
0x58: {  	[hbm4b:s2+s3] =	stream.indirect_vreg.scatter [tilespmem:s0], [sflag:$0x1], $0x80, v7, vm0, $0xb8;
	[tilespmem:$0x12100] =	vst v63  }
0x59: {  	s11 =	rddreg [dreg:$0x15]  }
0x5a: {  	[hbm4b:s4+s3] =	stream.indirect_vreg.scatter [tilespmem:s11], [sflag:$0x1], $0x80, v7, vm0, $0xb8;
	[tilespmem:$0x12100] =	vst v63  }
0x5b: {  	s11 =	simm.s32 $0x7080  }
0x5c: {  	[hbm4b:s5+s3] =	stream.indirect_vreg.scatter [tilespmem:s11], [sflag:$0x1], $0x80, v7, vm0, $0xb8;
	[tilespmem:$0x12100] =	vst v63  }
0x5d: {  	_ = 	snop  }
0x5e: {  	[hbm4b:s6+s3] =	stream.indirect_vreg.scatter [tilespmem:s12], [sflag:$0x1], $0x80, v7, vm0, $0xb8;
	[tilespmem:$0x12100] =	vst v63  }
0x5f: {  	v7 =	vld [tilespmem:$0x20];
	_ =	sdelay $0x4  }
0x60: {  	v8 =	vshll.u32 v7, $0x3  }
0x61: {  	v7 =	vand.u32 $0x7, v7;
	v8 =	vand.u32 $0xFFFFFFC0, v8  }
0x62: {  	v7 =	vor.u32 v7, v8  }
0x63: {  	v8 =	vperm.xlane v7, v4;
	_ =	sdelay $0x1  }
0x64: {  	v8 =	vadd.s32 v5, v8;
	_ =	sdelay $0x4  }
0x65: {  	[hbm4b:s2+s3] =	stream.indirect_vreg.scatter [tilespmem:s13], [sflag:$0x1], $0x80, v8, vm0, $0xb8;
	[tilespmem:$0x12100] =	vst v63  }
0x66: {  	v7 =	vperm.xlane v7, v6  }
0x67: {  	[hbm4b:s4+s3] =	stream.indirect_vreg.scatter [tilespmem:s14], [sflag:$0x1], $0x80, v8, vm0, $0xb8;
	[tilespmem:$0x12100] =	vst v63  }
0x68: {  	v7 =	vadd.s32 v5, v7  }
0x69: {  	[hbm4b:s5+s3] =	stream.indirect_vreg.scatter [tilespmem:s15], [sflag:$0x1], $0x80, v8, vm0, $0xb8;
	[tilespmem:$0x12100] =	vst v63  }
0x6a: {  	_ = 	snop  }
0x6b: {  	[hbm4b:s6+s3] =	stream.indirect_vreg.scatter [tilespmem:s16], [sflag:$0x1], $0x80, v8, vm0, $0xb8;
	[tilespmem:$0x12100] =	vst v63  }
0x6c: {  	_ = 	snop  }
0x6d: {  	[hbm4b:s2+s3] =	stream.indirect_vreg.scatter [tilespmem:s17], [sflag:$0x1], $0x80, v7, vm0, $0xb8;
	[tilespmem:$0x12100] =	vst v63  }
0x6e: {  	_ = 	snop  }
0x6f: {  	[hbm4b:s4+s3] =	stream.indirect_vreg.scatter [tilespmem:s18], [sflag:$0x1], $0x80, v7, vm0, $0xb8;
	[tilespmem:$0x12100] =	vst v63  }
0x70: {  	_ = 	snop  }
0x71: {  	[hbm4b:s5+s3] =	stream.indirect_vreg.scatter [tilespmem:s19], [sflag:$0x1], $0x80, v7, vm0, $0xb8;
	[tilespmem:$0x12100] =	vst v63  }
0x72: {  	_ = 	snop  }
0x73: {  	[hbm4b:s6+s3] =	stream.indirect_vreg.scatter [tilespmem:s20], [sflag:$0x1], $0x80, v7, vm0, $0xb8;
	[tilespmem:$0x12100] =	vst v63  }
0x74: {  	v7 =	vld [tilespmem:$0x30];
	_ =	sdelay $0x4  }
0x75: {  	v8 =	vshll.u32 v7, $0x3  }
0x76: {  	v7 =	vand.u32 $0x7, v7;
	v8 =	vand.u32 $0xFFFFFFC0, v8  }
0x77: {  	v7 =	vor.u32 v7, v8  }
0x78: {  	v8 =	vperm.xlane v7, v4;
	_ =	sdelay $0x1  }
0x79: {  	v8 =	vadd.s32 v5, v8;
	_ =	sdelay $0x4  }
0x7a: {  	[hbm4b:s2+s3] =	stream.indirect_vreg.scatter [tilespmem:s21], [sflag:$0x1], $0x80, v8, vm0, $0xb8;
	[tilespmem:$0x12100] =	vst v63  }
0x7b: {  	v7 =	vperm.xlane v7, v6  }
0x7c: {  	[hbm4b:s4+s3] =	stream.indirect_vreg.scatter [tilespmem:s22], [sflag:$0x1], $0x80, v8, vm0, $0xb8;
	[tilespmem:$0x12100] =	vst v63  }
0x7d: {  	v7 =	vadd.s32 v5, v7  }
0x7e: {  	[hbm4b:s5+s3] =	stream.indirect_vreg.scatter [tilespmem:s23], [sflag:$0x1], $0x80, v8, vm0, $0xb8;
	[tilespmem:$0x12100] =	vst v63  }
0x7f: {  	_ = 	snop  }
0x80: {  	[hbm4b:s6+s3] =	stream.indirect_vreg.scatter [tilespmem:s24], [sflag:$0x1], $0x80, v8, vm0, $0xb8;
	[tilespmem:$0x12100] =	vst v63  }
0x81: {  	_ = 	snop  }
0x82: {  	[hbm4b:s2+s3] =	stream.indirect_vreg.scatter [tilespmem:s25], [sflag:$0x1], $0x80, v7, vm0, $0xb8;
	[tilespmem:$0x12100] =	vst v63  }
0x83: {  	_ = 	snop  }
0x84: {  	[hbm4b:s4+s3] =	stream.indirect_vreg.scatter [tilespmem:s26], [sflag:$0x1], $0x80, v7, vm0, $0xb8;
	[tilespmem:$0x12100] =	vst v63  }
0x85: {  	_ = 	snop  }
0x86: {  	[hbm4b:s5+s3] =	stream.indirect_vreg.scatter [tilespmem:s28], [sflag:$0x1], $0x80, v7, vm0, $0xb8;
	[tilespmem:$0x12100] =	vst v63  }
0x87: {  	_ = 	snop  }
0x88: {  	[hbm4b:s6+s3] =	stream.indirect_vreg.scatter [tilespmem:s29], [sflag:$0x1], $0x80, v7, vm0, $0xb8;
	[tilespmem:$0x12100] =	vst v63  }
0x89: {  	s11 =	rddreg [dreg:$0x4]  }
0x8a: {  	[hbm4b:s11+s30] =	stream.indirect.scatter [tilespmem:s10], [sflag:$0x2], $0x80, s3, s30, $0xb8;
	[tilespmem:$0x12100] =	vst v63  }
0x8b: {  	p0 =	sne.s32 s7, $0x1;
	_ =	swait.ge [sflag:s31], $0x10000  }
.Ltmp0:
0x8c: {  	[sflag:s31] =	ssyncset.done $0x0;
	(pc) =	sbr.rel @p0 .LBB2_1-.Ltmp0, $4  }
0x8d: {  	[sflag:s31] =	ssyncadd.s32 $0xFFFF0000  }
0x8e: {  	_ =	swait.ge [sflag:s1], $0x2000  }
0x8f: {  	[sflag:s1] =	ssyncset.done $0x0  }
0x90: {  	s7 =	sadd.s32 $0xFFFFFFFF, s7;
	[sflag:s1] =	ssyncadd.s32 $0xFFFFE000  }
0x91: {  	_ =	sfence.sel $0x180000  }
0x92: {  	[bflag:$0x0] =	sbarrier.arrive $0xFFFF  }
0x93: {  	_ =	strace $0x90000047  }
0x94: {  	s0 =	stileid.u32;
	[bflag:$0x2] =	sbarrier.arrive $0xFFFF  }
0x95: {  	p0 =	sne.s32 s0, $0x0;
	s0 =	rddreg [dreg:$0x3]  }
0x96: {  	s0 =	sadd.s32 @!p0 $0x100000, s0  }
0x97: {  	[sflag:s0] =	ssyncadd.tile.s32 @!p0 $0x1;
	_ =	shalt  }
.Lfunc_end2:
_tile_overlayer_lowered:
.L_overlay_start_2:
0x98: {  	(tag) =	ssettag $0x2  }
0x99: {  	s0 =	rddreg [dreg:$0x0];
	s2 =	stileid.u32  }
0x9a: {  	s1 =	rddreg [dreg:$0x1];
	p0 =	sne.s32 s2, $0x0  }
0x9b: {  	s3 =	rddreg [dreg:$0x2];
	[bflag:$0x3] =	sbarrier.arrive $0xFFFF;
	s2 =	simm.s32 @!p0 $0x1C03  }
0x9c: {  	[timem:s3], [sflag:s2] =	dma.local @!p0 [hbm:s0], s1  }
0x9d: {  	s0 =	simm.s32 @!p0 $0x3  }
0x9e: {  	_ =	swait.ge @!p0 [sflag:s0], s1  }
0x9f: {  	s1 =	ssub.s32 @!p0 $0x0, s1;
	[sflag:s0] =	ssyncset.done @!p0 $0x0  }
0xa0: {  	[sflag:s0] =	ssyncadd.s32 @!p0 s1  }
0xa1: {  	[bflag:$0x3] =	sbarrier.arrive $0xFFFF  }
0xa2: {  	_ =	shalt  }

</sc_bundles>
